<compile_context>
chip_gen: v7x
topology: tpu7x:2x2x1
jax: 0.10.2.dev20260603
libtpu: 0.0.44.dev20260713+nightly
codegen_flags: <defaults>
</compile_context>

<pallas_src>
import functools

import jax
import jax.numpy as jnp
from jax import lax
from jax.experimental import pallas as pl
from jax.experimental.pallas import tpu as pltpu
from jax.experimental.pallas import tpu_sc as plsc

B = 1024
NP_ = 200
D = 128
LABELS = 1000
T = B * NP_
NEG_INF = -2.0 * 10**10


def _transform2_body(tbl_ref, wa_ref, wb_ref, oa_ref, ob_ref):
    blk = tbl_ref[...]
    oa_ref[...] = jnp.dot(blk, wa_ref[...], preferred_element_type=jnp.float32)
    ob_ref[...] = jnp.dot(blk, wb_ref[...], preferred_element_type=jnp.float32)


def _transform1_body(tbl_ref, wa_ref, oa_ref):
    oa_ref[...] = jnp.dot(tbl_ref[...], wa_ref[...], preferred_element_type=jnp.float32)


def _transform_values(table, w_a, w_b, block_rows=2000):
    v = table.shape[0]
    grid = v // block_rows
    return pl.pallas_call(
        _transform2_body,
        grid=(grid,),
        in_specs=[
            pl.BlockSpec((block_rows, D), lambda i: (i, 0)),
            pl.BlockSpec((D, D), lambda i: (0, 0)),
            pl.BlockSpec((D, D), lambda i: (0, 0)),
        ],
        out_specs=[
            pl.BlockSpec((block_rows, D), lambda i: (i, 0)),
            pl.BlockSpec((block_rows, D), lambda i: (i, 0)),
        ],
        out_shape=[
            jax.ShapeDtypeStruct((v, D), jnp.float32),
            jax.ShapeDtypeStruct((v, D), jnp.float32),
        ],
    )(table, w_a, w_b)


def _transform_paths(table, w_a, block_rows=2000):
    v = table.shape[0]
    grid = v // block_rows
    return pl.pallas_call(
        _transform1_body,
        grid=(grid,),
        in_specs=[
            pl.BlockSpec((block_rows, D), lambda i: (i, 0)),
            pl.BlockSpec((D, D), lambda i: (0, 0)),
        ],
        out_specs=pl.BlockSpec((block_rows, D), lambda i: (i, 0)),
        out_shape=jax.ShapeDtypeStruct((v, D), jnp.float32),
    )(table, w_a)



_NC = 2
_NS = 16
_NW = _NC * _NS
_CHUNK = 128
_TPW = T // _NW
_NCHUNK = _TPW // _CHUNK
_NPAIR = _NCHUNK // 2


def _gather_add_sc(idx_all, tvs, tp, tve):
    mesh = plsc.VectorSubcoreMesh(core_axis_name="c", subcore_axis_name="s")

    @functools.partial(
        pl.kernel,
        mesh=mesh,
        out_type=jax.ShapeDtypeStruct((T, D), jnp.float32),
        scratch_types=[
            pltpu.VMEM((3, _CHUNK), jnp.int32),
            pltpu.VMEM((3, _CHUNK), jnp.int32),
            pltpu.VMEM((_CHUNK, D), jnp.float32),
            pltpu.VMEM((_CHUNK, D), jnp.float32),
            pltpu.VMEM((_CHUNK, D), jnp.float32),
            pltpu.VMEM((_CHUNK, D), jnp.float32),
            pltpu.VMEM((_CHUNK, D), jnp.float32),
            pltpu.VMEM((_CHUNK, D), jnp.float32),
            pltpu.SemaphoreType.DMA,
            pltpu.SemaphoreType.DMA,
            pltpu.SemaphoreType.DMA,
            pltpu.SemaphoreType.DMA,
            pltpu.SemaphoreType.DMA,
            pltpu.SemaphoreType.DMA,
        ],
    )
    def k(idx_hbm, tvs_hbm, tp_hbm, tve_hbm, out_hbm,
          idx_a, idx_b, rs_a, rp_a, re_a, rs_b, rp_b, re_b,
          s1a, s2a, s3a, s1b, s2b, s3b):
        wid = lax.axis_index("s") * _NC + lax.axis_index("c")
        wchunk0 = wid * _NCHUNK

        def fetch(ci, idx_v, rs, rp, re_, s1, s2, s3):
            pltpu.sync_copy(idx_hbm.at[wchunk0 + ci], idx_v)
            c1 = pltpu.async_copy(tvs_hbm.at[idx_v.at[0]], rs, s1)
            c2 = pltpu.async_copy(tp_hbm.at[idx_v.at[1]], rp, s2)
            c3 = pltpu.async_copy(tve_hbm.at[idx_v.at[2]], re_, s3)
            return c1, c2, c3

        def drain(ci, cs, rs, rp, re_):
            for c in cs:
                c.wait()

            def tok_body(t, acc):
                for j in range(D // 16):
                    sl = pl.ds(j * 16, 16)
                    rs[t, sl] = rs[t, sl] + rp[t, sl] + re_[t, sl]
                return acc

            lax.fori_loop(0, _CHUNK, tok_body, 0)
            pltpu.sync_copy(rs, out_hbm.at[pl.ds((wchunk0 + ci) * _CHUNK, _CHUNK)])

        fetch(0, idx_a, rs_a, rp_a, re_a, s1a, s2a, s3a)

        def pair_body(g, carry):
            ca = 2 * g
            cb = 2 * g + 1
            cs_b = fetch(cb, idx_b, rs_b, rp_b, re_b, s1b, s2b, s3b)
            cs_a = (pltpu.make_async_copy(tvs_hbm.at[idx_a.at[0]], rs_a, s1a),
                    pltpu.make_async_copy(tp_hbm.at[idx_a.at[1]], rp_a, s2a),
                    pltpu.make_async_copy(tve_hbm.at[idx_a.at[2]], re_a, s3a))
            drain(ca, cs_a, rs_a, rp_a, re_a)

            @pl.when(g < _NPAIR - 1)
            def _():
                fetch(ca + 2, idx_a, rs_a, rp_a, re_a, s1a, s2a, s3a)

            drain(cb, cs_b, rs_b, rp_b, re_b)
            return carry

        lax.fori_loop(0, _NPAIR, pair_body, 0)

    return k(idx_all, tvs, tp, tve)



_BB = 16


def _attn_body(pre_ref, starts_ref, at_ref, wout_ref, code_ref, out_ref):
    h2 = jnp.tanh(pre_ref[...].reshape(_BB * NP_, D))
    scores = jnp.dot(h2, at_ref[...], preferred_element_type=jnp.float32)
    s = scores.reshape(_BB, NP_)
    mask = (starts_ref[...] > 1).astype(jnp.float32)
    s = s * mask + (1.0 - mask) * NEG_INF
    mx = jnp.max(s, axis=1, keepdims=True)
    e = jnp.exp(s - mx)
    w = e / jnp.sum(e, axis=1, keepdims=True)
    row = lax.broadcasted_iota(jnp.int32, (_BB, _BB * NP_), 0)
    col = lax.broadcasted_iota(jnp.int32, (_BB, _BB * NP_), 1) // NP_
    wd = jnp.where(row == col,
                   jnp.broadcast_to(w.reshape(1, _BB * NP_), (_BB, _BB * NP_)),
                   0.0)
    code = jnp.dot(wd, h2, preferred_element_type=jnp.float32)
    code_ref[...] = code
    out_ref[...] = jnp.dot(code, wout_ref[...], preferred_element_type=jnp.float32)


def _attention(pre, starts, a_t, w_out):
    grid = B // _BB
    return pl.pallas_call(
        _attn_body,
        grid=(grid,),
        in_specs=[
            pl.BlockSpec((_BB, NP_, D), lambda i: (i, 0, 0)),
            pl.BlockSpec((_BB, NP_), lambda i: (i, 0)),
            pl.BlockSpec((D, 1), lambda i: (0, 0)),
            pl.BlockSpec((D, LABELS), lambda i: (0, 0)),
        ],
        out_specs=[
            pl.BlockSpec((_BB, D), lambda i: (i, 0)),
            pl.BlockSpec((_BB, LABELS), lambda i: (i, 0)),
        ],
        out_shape=[
            jax.ShapeDtypeStruct((B, D), jnp.float32),
            jax.ShapeDtypeStruct((B, LABELS), jnp.float32),
        ],
    )(pre, starts, a_t, w_out)




def kernel(starts, paths, ends, values_table, paths_table, W, a, W_out):
    w_s = W[0:D]
    w_p = W[D:2 * D]
    w_e = W[2 * D:3 * D]
    tvs, tve = _transform_values(values_table, w_s, w_e)
    tp = _transform_paths(paths_table, w_p)
    idx_all = jnp.stack(
        [starts.reshape(-1, _CHUNK),
         paths.reshape(-1, _CHUNK),
         ends.reshape(-1, _CHUNK)], axis=1)
    pre_flat = _gather_add_sc(idx_all, tvs, tp, tve)
    pre = pre_flat.reshape(B, NP_, D)
    code, out = _attention(pre, starts, a.T, W_out)
    return (code, out)

# --- scband reference (transcript-rebuilt; emitter-appended) ---
"""Pipeline reference for scband-code2vec-model-34565896798299 (READ-ONLY COPY).

The authoritative reference and input builder live on the scoring server;
editing this copy changes nothing except your own understanding.
"""

import jax, jax.numpy as jnp
import numpy as np

VALUES_VOCAB = 100000
PATHS_VOCAB = 50000
VAL_DIM = 128
PATH_DIM = 128
EMBED_DIM = 128
LABELS = 1000
B = 1024
NP_ = 200
NEG_INF = -2.0 * 10**10


def setup_inputs(seed: int = 0) -> dict:
    key = jax.random.key(seed)
    ks = jax.random.split(key, 8)
    starts = jax.random.randint(ks[0], (B, NP_), 0, VALUES_VOCAB, dtype=jnp.int64 if jax.config.jax_enable_x64 else jnp.int32).astype(jnp.int32)
    paths = jax.random.randint(ks[1], (B, NP_), 0, PATHS_VOCAB, dtype=jnp.int32)
    ends = jax.random.randint(ks[2], (B, NP_), 0, VALUES_VOCAB, dtype=jnp.int32)
    values_table = jax.random.normal(ks[3], (VALUES_VOCAB, VAL_DIM), dtype=jnp.float32)
    paths_table = jax.random.normal(ks[4], (PATHS_VOCAB, PATH_DIM), dtype=jnp.float32)
    W = jax.random.normal(ks[5], (PATH_DIM + 2 * VAL_DIM, EMBED_DIM), dtype=jnp.float32) * (1.0 / np.sqrt(PATH_DIM + 2 * VAL_DIM))
    a = jax.random.normal(ks[6], (1, EMBED_DIM), dtype=jnp.float32)
    W_out = jax.random.normal(ks[7], (EMBED_DIM, LABELS), dtype=jnp.float32) * (1.0 / np.sqrt(EMBED_DIM))
    return {"starts": starts, "paths": paths, "ends": ends,
            "values_table": values_table, "paths_table": paths_table,
            "W": W, "a": a, "W_out": W_out}


def reference(starts, paths, ends, values_table, paths_table, W, a, W_out):
    # embedding lookups (gather)
    start_embedding = jnp.take(values_table, starts, axis=0)   # [B, N, VAL_DIM]
    path_embedding = jnp.take(paths_table, paths, axis=0)      # [B, N, PATH_DIM]
    end_embedding = jnp.take(values_table, ends, axis=0)       # [B, N, VAL_DIM]
    context_vec = jnp.concatenate((start_embedding, path_embedding, end_embedding), axis=2)  # [B, N, 384]
    mask = (starts > 1).astype(jnp.float32)                    # [B, N]
    # dropout is identity at inference
    comb_context_vec = jnp.tanh(context_vec @ W)               # [B, N, EMBED_DIM]
    lin_mul = comb_context_vec @ a.T                           # [B, N, 1]
    m = mask[:, :, None]
    attention_weights = jax.nn.softmax(lin_mul * m + (1.0 - m) * NEG_INF, axis=1)
    code_vector = jnp.sum(comb_context_vec * attention_weights, axis=1)  # [B, EMBED_DIM]
    output = code_vector @ W_out                               # [B, LABELS]
    return (code_vector, output)

if __name__ == "__main__":
    import jax
    _d = setup_inputs()
    print(jax.jit(kernel)(*tuple(_d.values())))

</pallas_src>

<mosaic_0001>
#map = affine_map<(d0, d1) -> (0, 0, 0)>
#map1 = affine_map<(d0, d1) -> (0, 0)>
module attributes {stable_mosaic.version = 14 : i64} {
  func.func @k(%arg0: i32, %arg1: i32, %arg2: memref<1600x3x128xi32, #tpu.memory_space<hbm>>, %arg3: memref<100000x128xf32, #tpu.memory_space<hbm>>, %arg4: memref<50000x128xf32, #tpu.memory_space<hbm>>, %arg5: memref<100000x128xf32, #tpu.memory_space<hbm>>, %arg6: memref<204800x128xf32, #tpu.memory_space<hbm>>, %arg7: memref<3x128xi32, #tpu.memory_space<vmem>>, %arg8: memref<3x128xi32, #tpu.memory_space<vmem>>, %arg9: memref<128x128xf32, #tpu.memory_space<vmem>>, %arg10: memref<128x128xf32, #tpu.memory_space<vmem>>, %arg11: memref<128x128xf32, #tpu.memory_space<vmem>>, %arg12: memref<128x128xf32, #tpu.memory_space<vmem>>, %arg13: memref<128x128xf32, #tpu.memory_space<vmem>>, %arg14: memref<128x128xf32, #tpu.memory_space<vmem>>, %arg15: memref<!tpu.dma_semaphore, #tpu.memory_space<semaphore_mem>>, %arg16: memref<!tpu.dma_semaphore, #tpu.memory_space<semaphore_mem>>, %arg17: memref<!tpu.dma_semaphore, #tpu.memory_space<semaphore_mem>>, %arg18: memref<!tpu.dma_semaphore, #tpu.memory_space<semaphore_mem>>, %arg19: memref<!tpu.dma_semaphore, #tpu.memory_space<semaphore_mem>>, %arg20: memref<!tpu.dma_semaphore, #tpu.memory_space<semaphore_mem>>) attributes {dimension_semantics = [#tpu.dimension_semantics<core_parallel>, #tpu.dimension_semantics<subcore_parallel>], iteration_bounds = array<i64: 2, 16>, scalar_prefetch = 0 : i64, scratch_operands = 14 : i64, tpu.core_type = #tpu.core_type<sc_vector_subcore>, window_params = [{transform_indices = #map}, {transform_indices = #map1}, {transform_indices = #map1}, {transform_indices = #map1}, {transform_indices = #map1}]} {
    %mul3A = arith.constant 2 : i32
    %mul3A_0 = arith.muli %arg1, %mul3A : i32
    %add3A = arith.addi %mul3A_0, %arg0 : i32
    %mul3A_1 = arith.constant 50 : i32
    %mul3A_2 = arith.muli %add3A, %mul3A_1 : i32
    %add3A_3 = arith.constant 0 : i32
    %add3A_4 = arith.addi %mul3A_2, %add3A_3 : i32
    "tpu.region"() ({
      %run_scoped3A = tpu.sem_alloc : memref<!tpu.dma_semaphore, #tpu.memory_space<semaphore_mem>>
      %dma_start3A_30 = arith.constant 0 : i32
      %dma_start3A_31 = arith.constant 0 : i32
      %dma_start3A_32 = tpu.memref_slice %arg2[%add3A_4, %dma_start3A_30, %dma_start3A_31] : memref<1600x3x128xi32, #tpu.memory_space<hbm>> -> memref<1x3x128xi32, #tpu.memory_space<hbm>>
      %dma_start3A_33 = tpu.memref_squeeze %dma_start3A_32 : memref<1x3x128xi32, #tpu.memory_space<hbm>> -> memref<3x128xi32, #tpu.memory_space<hbm>>
      %dma_start3A_34 = arith.constant 0 : i32
      %dma_start3A_35 = arith.constant 0 : i32
      %dma_start3A_36 = tpu.memref_slice %arg2[%add3A_4, %dma_start3A_34, %dma_start3A_35] : memref<1600x3x128xi32, #tpu.memory_space<hbm>> -> memref<1x3x128xi32, #tpu.memory_space<hbm>>
      %dma_start3A_37 = tpu.memref_squeeze %dma_start3A_36 : memref<1x3x128xi32, #tpu.memory_space<hbm>> -> memref<3x128xi32, #tpu.memory_space<hbm>>
      tpu.enqueue_dma source(%dma_start3A_37 : memref<3x128xi32, #tpu.memory_space<hbm>>) target(%arg7 : memref<3x128xi32, #tpu.memory_space<vmem>>) target_semaphore(%run_scoped3A : memref<!tpu.dma_semaphore, #tpu.memory_space<semaphore_mem>>)
      %dma_wait3A = arith.constant 0 : i32
      %dma_wait3A_38 = arith.constant 0 : i32
      %dma_wait3A_39 = tpu.memref_slice %arg2[%add3A_4, %dma_wait3A, %dma_wait3A_38] : memref<1600x3x128xi32, #tpu.memory_space<hbm>> -> memref<1x3x128xi32, #tpu.memory_space<hbm>>
      %dma_wait3A_40 = tpu.memref_squeeze %dma_wait3A_39 : memref<1x3x128xi32, #tpu.memory_space<hbm>> -> memref<3x128xi32, #tpu.memory_space<hbm>>
      %dma_wait3A_41 = arith.constant 0 : i32
      %dma_wait3A_42 = arith.constant 0 : i32
      %dma_wait3A_43 = tpu.memref_slice %arg2[%add3A_4, %dma_wait3A_41, %dma_wait3A_42] : memref<1600x3x128xi32, #tpu.memory_space<hbm>> -> memref<1x3x128xi32, #tpu.memory_space<hbm>>
      %dma_wait3A_44 = tpu.memref_squeeze %dma_wait3A_43 : memref<1x3x128xi32, #tpu.memory_space<hbm>> -> memref<3x128xi32, #tpu.memory_space<hbm>>
      tpu.wait_dma2 semaphore(%run_scoped3A : memref<!tpu.dma_semaphore, #tpu.memory_space<semaphore_mem>>) src(%dma_wait3A_44 : memref<3x128xi32, #tpu.memory_space<hbm>>) dst(%arg7 : memref<3x128xi32, #tpu.memory_space<vmem>>)
      tpu.yield
    }) : () -> ()
    %dma_start3A = arith.constant 0 : i32
    %dma_start3A_5 = arith.constant 0 : i32
    %dma_start3A_6 = tpu.memref_slice %arg7[%dma_start3A, %dma_start3A_5] : memref<3x128xi32, #tpu.memory_space<vmem>> -> memref<1x128xi32, #tpu.memory_space<vmem>>
    %dma_start3A_7 = tpu.memref_squeeze %dma_start3A_6 : memref<1x128xi32, #tpu.memory_space<vmem>> -> memref<128xi32, #tpu.memory_space<vmem>>
    %dma_start3A_8 = arith.constant 0 : i32
    %dma_start3A_9 = arith.constant 0 : i32
    %dma_start3A_10 = tpu.memref_slice %arg3[%dma_start3A_8, %dma_start3A_9] : memref<100000x128xf32, #tpu.memory_space<hbm>> -> memref<100000x128xf32, #tpu.memory_space<hbm>>
    tpu.enqueue_indirect_dma source(%dma_start3A_10 : memref<100000x128xf32, #tpu.memory_space<hbm>>) target(%arg9 : memref<128x128xf32, #tpu.memory_space<vmem>>) offsets(%dma_start3A_7 : memref<128xi32, #tpu.memory_space<vmem>>) semaphore(%arg15 : memref<!tpu.dma_semaphore, #tpu.memory_space<semaphore_mem>>)
    %dma_start3A_11 = arith.constant 1 : i32
    %dma_start3A_12 = arith.constant 0 : i32
    %dma_start3A_13 = tpu.memref_slice %arg7[%dma_start3A_11, %dma_start3A_12] : memref<3x128xi32, #tpu.memory_space<vmem>> -> memref<1x128xi32, #tpu.memory_space<vmem>>
    %dma_start3A_14 = tpu.memref_squeeze %dma_start3A_13 : memref<1x128xi32, #tpu.memory_space<vmem>> -> memref<128xi32, #tpu.memory_space<vmem>>
    %dma_start3A_15 = arith.constant 0 : i32
    %dma_start3A_16 = arith.constant 0 : i32
    %dma_start3A_17 = tpu.memref_slice %arg4[%dma_start3A_15, %dma_start3A_16] : memref<50000x128xf32, #tpu.memory_space<hbm>> -> memref<50000x128xf32, #tpu.memory_space<hbm>>
    tpu.enqueue_indirect_dma source(%dma_start3A_17 : memref<50000x128xf32, #tpu.memory_space<hbm>>) target(%arg10 : memref<128x128xf32, #tpu.memory_space<vmem>>) offsets(%dma_start3A_14 : memref<128xi32, #tpu.memory_space<vmem>>) semaphore(%arg16 : memref<!tpu.dma_semaphore, #tpu.memory_space<semaphore_mem>>)
    %dma_start3A_18 = arith.constant 2 : i32
    %dma_start3A_19 = arith.constant 0 : i32
    %dma_start3A_20 = tpu.memref_slice %arg7[%dma_start3A_18, %dma_start3A_19] : memref<3x128xi32, #tpu.memory_space<vmem>> -> memref<1x128xi32, #tpu.memory_space<vmem>>
    %dma_start3A_21 = tpu.memref_squeeze %dma_start3A_20 : memref<1x128xi32, #tpu.memory_space<vmem>> -> memref<128xi32, #tpu.memory_space<vmem>>
    %dma_start3A_22 = arith.constant 0 : i32
    %dma_start3A_23 = arith.constant 0 : i32
    %dma_start3A_24 = tpu.memref_slice %arg5[%dma_start3A_22, %dma_start3A_23] : memref<100000x128xf32, #tpu.memory_space<hbm>> -> memref<100000x128xf32, #tpu.memory_space<hbm>>
    tpu.enqueue_indirect_dma source(%dma_start3A_24 : memref<100000x128xf32, #tpu.memory_space<hbm>>) target(%arg11 : memref<128x128xf32, #tpu.memory_space<vmem>>) offsets(%dma_start3A_21 : memref<128xi32, #tpu.memory_space<vmem>>) semaphore(%arg17 : memref<!tpu.dma_semaphore, #tpu.memory_space<semaphore_mem>>)
    %scan3A = arith.constant 0 : i32
    %scan3A_25 = arith.constant 0 : i32
    %scan3A_26 = arith.constant 25 : i32
    %scan3A_27 = arith.addi %scan3A_25, %scan3A_26 : i32
    %scan3A_28 = arith.constant 1 : i32
    scf.for %scan3A_30 = %scan3A_25 to %scan3A_27 step %scan3A_28  : i32 {
      %mul3A_31 = arith.constant 2 : i32
      %mul3A_32 = arith.muli %mul3A_31, %scan3A_30 : i32
      %mul3A_33 = arith.constant 2 : i32
      %mul3A_34 = arith.muli %mul3A_33, %scan3A_30 : i32
      %add3A_35 = arith.constant 1 : i32
      %add3A_36 = arith.addi %mul3A_34, %add3A_35 : i32
      %add3A_37 = arith.addi %mul3A_2, %add3A_36 : i32
      "tpu.region"() ({
        %run_scoped3A = tpu.sem_alloc : memref<!tpu.dma_semaphore, #tpu.memory_space<semaphore_mem>>
        %dma_start3A_120 = arith.constant 0 : i32
        %dma_start3A_121 = arith.constant 0 : i32
        %dma_start3A_122 = tpu.memref_slice %arg2[%add3A_37, %dma_start3A_120, %dma_start3A_121] : memref<1600x3x128xi32, #tpu.memory_space<hbm>> -> memref<1x3x128xi32, #tpu.memory_space<hbm>>
        %dma_start3A_123 = tpu.memref_squeeze %dma_start3A_122 : memref<1x3x128xi32, #tpu.memory_space<hbm>> -> memref<3x128xi32, #tpu.memory_space<hbm>>
        %dma_start3A_124 = arith.constant 0 : i32
        %dma_start3A_125 = arith.constant 0 : i32
        %dma_start3A_126 = tpu.memref_slice %arg2[%add3A_37, %dma_start3A_124, %dma_start3A_125] : memref<1600x3x128xi32, #tpu.memory_space<hbm>> -> memref<1x3x128xi32, #tpu.memory_space<hbm>>
        %dma_start3A_127 = tpu.memref_squeeze %dma_start3A_126 : memref<1x3x128xi32, #tpu.memory_space<hbm>> -> memref<3x128xi32, #tpu.memory_space<hbm>>
        tpu.enqueue_dma source(%dma_start3A_127 : memref<3x128xi32, #tpu.memory_space<hbm>>) target(%arg8 : memref<3x128xi32, #tpu.memory_space<vmem>>) target_semaphore(%run_scoped3A : memref<!tpu.dma_semaphore, #tpu.memory_space<semaphore_mem>>)
        %dma_wait3A_128 = arith.constant 0 : i32
        %dma_wait3A_129 = arith.constant 0 : i32
        %dma_wait3A_130 = tpu.memref_slice %arg2[%add3A_37, %dma_wait3A_128, %dma_wait3A_129] : memref<1600x3x128xi32, #tpu.memory_space<hbm>> -> memref<1x3x128xi32, #tpu.memory_space<hbm>>
        %dma_wait3A_131 = tpu.memref_squeeze %dma_wait3A_130 : memref<1x3x128xi32, #tpu.memory_space<hbm>> -> memref<3x128xi32, #tpu.memory_space<hbm>>
        %dma_wait3A_132 = arith.constant 0 : i32
        %dma_wait3A_133 = arith.constant 0 : i32
        %dma_wait3A_134 = tpu.memref_slice %arg2[%add3A_37, %dma_wait3A_132, %dma_wait3A_133] : memref<1600x3x128xi32, #tpu.memory_space<hbm>> -> memref<1x3x128xi32, #tpu.memory_space<hbm>>
        %dma_wait3A_135 = tpu.memref_squeeze %dma_wait3A_134 : memref<1x3x128xi32, #tpu.memory_space<hbm>> -> memref<3x128xi32, #tpu.memory_space<hbm>>
        tpu.wait_dma2 semaphore(%run_scoped3A : memref<!tpu.dma_semaphore, #tpu.memory_space<semaphore_mem>>) src(%dma_wait3A_135 : memref<3x128xi32, #tpu.memory_space<hbm>>) dst(%arg8 : memref<3x128xi32, #tpu.memory_space<vmem>>)
        tpu.yield
      }) : () -> ()
      %dma_start3A_38 = arith.constant 0 : i32
      %dma_start3A_39 = arith.constant 0 : i32
      %dma_start3A_40 = tpu.memref_slice %arg8[%dma_start3A_38, %dma_start3A_39] : memref<3x128xi32, #tpu.memory_space<vmem>> -> memref<1x128xi32, #tpu.memory_space<vmem>>
      %dma_start3A_41 = tpu.memref_squeeze %dma_start3A_40 : memref<1x128xi32, #tpu.memory_space<vmem>> -> memref<128xi32, #tpu.memory_space<vmem>>
      %dma_start3A_42 = arith.constant 0 : i32
      %dma_start3A_43 = arith.constant 0 : i32
      %dma_start3A_44 = tpu.memref_slice %arg3[%dma_start3A_42, %dma_start3A_43] : memref<100000x128xf32, #tpu.memory_space<hbm>> -> memref<100000x128xf32, #tpu.memory_space<hbm>>
      tpu.enqueue_indirect_dma source(%dma_start3A_44 : memref<100000x128xf32, #tpu.memory_space<hbm>>) target(%arg12 : memref<128x128xf32, #tpu.memory_space<vmem>>) offsets(%dma_start3A_41 : memref<128xi32, #tpu.memory_space<vmem>>) semaphore(%arg18 : memref<!tpu.dma_semaphore, #tpu.memory_space<semaphore_mem>>)
      %dma_start3A_45 = arith.constant 1 : i32
      %dma_start3A_46 = arith.constant 0 : i32
      %dma_start3A_47 = tpu.memref_slice %arg8[%dma_start3A_45, %dma_start3A_46] : memref<3x128xi32, #tpu.memory_space<vmem>> -> memref<1x128xi32, #tpu.memory_space<vmem>>
      %dma_start3A_48 = tpu.memref_squeeze %dma_start3A_47 : memref<1x128xi32, #tpu.memory_space<vmem>> -> memref<128xi32, #tpu.memory_space<vmem>>
      %dma_start3A_49 = arith.constant 0 : i32
      %dma_start3A_50 = arith.constant 0 : i32
      %dma_start3A_51 = tpu.memref_slice %arg4[%dma_start3A_49, %dma_start3A_50] : memref<50000x128xf32, #tpu.memory_space<hbm>> -> memref<50000x128xf32, #tpu.memory_space<hbm>>
      tpu.enqueue_indirect_dma source(%dma_start3A_51 : memref<50000x128xf32, #tpu.memory_space<hbm>>) target(%arg13 : memref<128x128xf32, #tpu.memory_space<vmem>>) offsets(%dma_start3A_48 : memref<128xi32, #tpu.memory_space<vmem>>) semaphore(%arg19 : memref<!tpu.dma_semaphore, #tpu.memory_space<semaphore_mem>>)
      %dma_start3A_52 = arith.constant 2 : i32
      %dma_start3A_53 = arith.constant 0 : i32
      %dma_start3A_54 = tpu.memref_slice %arg8[%dma_start3A_52, %dma_start3A_53] : memref<3x128xi32, #tpu.memory_space<vmem>> -> memref<1x128xi32, #tpu.memory_space<vmem>>
      %dma_start3A_55 = tpu.memref_squeeze %dma_start3A_54 : memref<1x128xi32, #tpu.memory_space<vmem>> -> memref<128xi32, #tpu.memory_space<vmem>>
      %dma_start3A_56 = arith.constant 0 : i32
      %dma_start3A_57 = arith.constant 0 : i32
      %dma_start3A_58 = tpu.memref_slice %arg5[%dma_start3A_56, %dma_start3A_57] : memref<100000x128xf32, #tpu.memory_space<hbm>> -> memref<100000x128xf32, #tpu.memory_space<hbm>>
      tpu.enqueue_indirect_dma source(%dma_start3A_58 : memref<100000x128xf32, #tpu.memory_space<hbm>>) target(%arg14 : memref<128x128xf32, #tpu.memory_space<vmem>>) offsets(%dma_start3A_55 : memref<128xi32, #tpu.memory_space<vmem>>) semaphore(%arg20 : memref<!tpu.dma_semaphore, #tpu.memory_space<semaphore_mem>>)
      %dma_wait3A = arith.constant 0 : i32
      %dma_wait3A_59 = arith.constant 0 : i32
      %dma_wait3A_60 = tpu.memref_slice %arg7[%dma_wait3A, %dma_wait3A_59] : memref<3x128xi32, #tpu.memory_space<vmem>> -> memref<1x128xi32, #tpu.memory_space<vmem>>
      %dma_wait3A_61 = tpu.memref_squeeze %dma_wait3A_60 : memref<1x128xi32, #tpu.memory_space<vmem>> -> memref<128xi32, #tpu.memory_space<vmem>>
      %dma_wait3A_62 = arith.constant 0 : i32
      %dma_wait3A_63 = arith.constant 0 : i32
      %dma_wait3A_64 = tpu.memref_slice %arg3[%dma_wait3A_62, %dma_wait3A_63] : memref<100000x128xf32, #tpu.memory_space<hbm>> -> memref<100000x128xf32, #tpu.memory_space<hbm>>
      tpu.wait_indirect_dma semaphore(%arg15 : memref<!tpu.dma_semaphore, #tpu.memory_space<semaphore_mem>>) src(%dma_wait3A_64 : memref<100000x128xf32, #tpu.memory_space<hbm>>) dst(%arg9 : memref<128x128xf32, #tpu.memory_space<vmem>>)
      %dma_wait3A_65 = arith.constant 1 : i32
      %dma_wait3A_66 = arith.constant 0 : i32
      %dma_wait3A_67 = tpu.memref_slice %arg7[%dma_wait3A_65, %dma_wait3A_66] : memref<3x128xi32, #tpu.memory_space<vmem>> -> memref<1x128xi32, #tpu.memory_space<vmem>>
      %dma_wait3A_68 = tpu.memref_squeeze %dma_wait3A_67 : memref<1x128xi32, #tpu.memory_space<vmem>> -> memref<128xi32, #tpu.memory_space<vmem>>
      %dma_wait3A_69 = arith.constant 0 : i32
      %dma_wait3A_70 = arith.constant 0 : i32
      %dma_wait3A_71 = tpu.memref_slice %arg4[%dma_wait3A_69, %dma_wait3A_70] : memref<50000x128xf32, #tpu.memory_space<hbm>> -> memref<50000x128xf32, #tpu.memory_space<hbm>>
      tpu.wait_indirect_dma semaphore(%arg16 : memref<!tpu.dma_semaphore, #tpu.memory_space<semaphore_mem>>) src(%dma_wait3A_71 : memref<50000x128xf32, #tpu.memory_space<hbm>>) dst(%arg10 : memref<128x128xf32, #tpu.memory_space<vmem>>)
      %dma_wait3A_72 = arith.constant 2 : i32
      %dma_wait3A_73 = arith.constant 0 : i32
      %dma_wait3A_74 = tpu.memref_slice %arg7[%dma_wait3A_72, %dma_wait3A_73] : memref<3x128xi32, #tpu.memory_space<vmem>> -> memref<1x128xi32, #tpu.memory_space<vmem>>
      %dma_wait3A_75 = tpu.memref_squeeze %dma_wait3A_74 : memref<1x128xi32, #tpu.memory_space<vmem>> -> memref<128xi32, #tpu.memory_space<vmem>>
      %dma_wait3A_76 = arith.constant 0 : i32
      %dma_wait3A_77 = arith.constant 0 : i32
      %dma_wait3A_78 = tpu.memref_slice %arg5[%dma_wait3A_76, %dma_wait3A_77] : memref<100000x128xf32, #tpu.memory_space<hbm>> -> memref<100000x128xf32, #tpu.memory_space<hbm>>
      tpu.wait_indirect_dma semaphore(%arg17 : memref<!tpu.dma_semaphore, #tpu.memory_space<semaphore_mem>>) src(%dma_wait3A_78 : memref<100000x128xf32, #tpu.memory_space<hbm>>) dst(%arg11 : memref<128x128xf32, #tpu.memory_space<vmem>>)
      %scan3A_79 = arith.constant 0 : i32
      %scan3A_80 = arith.constant 0 : i32
      %scan3A_81 = arith.constant 128 : i32
      %scan3A_82 = arith.addi %scan3A_80, %scan3A_81 : i32
      %scan3A_83 = arith.constant 1 : i32
      scf.for %scan3A_120 = %scan3A_80 to %scan3A_82 step %scan3A_83  : i32 {
        %get3A = arith.index_cast %scan3A_120 : i32 to index
        %get3A_121 = arith.constant 0 : index
        %get3A_122 = tpu.vector_load %arg9[%get3A, %get3A_121] {strides = array<i32>} : memref<128x128xf32, #tpu.memory_space<vmem>>, vector<1x16xf32>,
        %get3A_123 = vector.shape_cast %get3A_122 : vector<1x16xf32> to vector<16xf32>
        %get3A_124 = arith.index_cast %scan3A_120 : i32 to index
        %get3A_125 = arith.constant 0 : index
        %get3A_126 = tpu.vector_load %arg10[%get3A_124, %get3A_125] {strides = array<i32>} : memref<128x128xf32, #tpu.memory_space<vmem>>, vector<1x16xf32>,
        %get3A_127 = vector.shape_cast %get3A_126 : vector<1x16xf32> to vector<16xf32>
        %add3A_128 = arith.addf %get3A_123, %get3A_127 : vector<16xf32>
        %get3A_129 = arith.index_cast %scan3A_120 : i32 to index
        %get3A_130 = arith.constant 0 : index
        %get3A_131 = tpu.vector_load %arg11[%get3A_129, %get3A_130] {strides = array<i32>} : memref<128x128xf32, #tpu.memory_space<vmem>>, vector<1x16xf32>,
        %get3A_132 = vector.shape_cast %get3A_131 : vector<1x16xf32> to vector<16xf32>
        %add3A_133 = arith.addf %add3A_128, %get3A_132 : vector<16xf32>
        %swap3A = arith.index_cast %scan3A_120 : i32 to index
        %swap3A_134 = arith.constant 0 : index
        %swap3A_135 = tpu.vector_load %arg9[%swap3A, %swap3A_134] {strides = array<i32>} : memref<128x128xf32, #tpu.memory_space<vmem>>, vector<1x16xf32>,
        %swap3A_136 = vector.shape_cast %swap3A_135 : vector<1x16xf32> to vector<16xf32>
        %swap3A_137 = vector.shape_cast %add3A_133 : vector<16xf32> to vector<1x16xf32>
        tpu.vector_store %arg9[%swap3A, %swap3A_134], %swap3A_137 {strides = array<i32>} : memref<128x128xf32, #tpu.memory_space<vmem>>, vector<1x16xf32>,
        %get3A_138 = arith.index_cast %scan3A_120 : i32 to index
        %get3A_139 = arith.constant 16 : index
        %get3A_140 = tpu.vector_load %arg9[%get3A_138, %get3A_139] {strides = array<i32>} : memref<128x128xf32, #tpu.memory_space<vmem>>, vector<1x16xf32>,
        %get3A_141 = vector.shape_cast %get3A_140 : vector<1x16xf32> to vector<16xf32>
        %get3A_142 = arith.index_cast %scan3A_120 : i32 to index
        %get3A_143 = arith.constant 16 : index
        %get3A_144 = tpu.vector_load %arg10[%get3A_142, %get3A_143] {strides = array<i32>} : memref<128x128xf32, #tpu.memory_space<vmem>>, vector<1x16xf32>,
        %get3A_145 = vector.shape_cast %get3A_144 : vector<1x16xf32> to vector<16xf32>
        %add3A_146 = arith.addf %get3A_141, %get3A_145 : vector<16xf32>
        %get3A_147 = arith.index_cast %scan3A_120 : i32 to index
        %get3A_148 = arith.constant 16 : index
        %get3A_149 = tpu.vector_load %arg11[%get3A_147, %get3A_148] {strides = array<i32>} : memref<128x128xf32, #tpu.memory_space<vmem>>, vector<1x16xf32>,
        %get3A_150 = vector.shape_cast %get3A_149 : vector<1x16xf32> to vector<16xf32>
        %add3A_151 = arith.addf %add3A_146, %get3A_150 : vector<16xf32>
        %swap3A_152 = arith.index_cast %scan3A_120 : i32 to index
        %swap3A_153 = arith.constant 16 : index
        %swap3A_154 = tpu.vector_load %arg9[%swap3A_152, %swap3A_153] {strides = array<i32>} : memref<128x128xf32, #tpu.memory_space<vmem>>, vector<1x16xf32>,
        %swap3A_155 = vector.shape_cast %swap3A_154 : vector<1x16xf32> to vector<16xf32>
        %swap3A_156 = vector.shape_cast %add3A_151 : vector<16xf32> to vector<1x16xf32>
        tpu.vector_store %arg9[%swap3A_152, %swap3A_153], %swap3A_156 {strides = array<i32>} : memref<128x128xf32, #tpu.memory_space<vmem>>, vector<1x16xf32>,
        %get3A_157 = arith.index_cast %scan3A_120 : i32 to index
        %get3A_158 = arith.constant 32 : index
        %get3A_159 = tpu.vector_load %arg9[%get3A_157, %get3A_158] {strides = array<i32>} : memref<128x128xf32, #tpu.memory_space<vmem>>, vector<1x16xf32>,
        %get3A_160 = vector.shape_cast %get3A_159 : vector<1x16xf32> to vector<16xf32>
        %get3A_161 = arith.index_cast %scan3A_120 : i32 to index
        %get3A_162 = arith.constant 32 : index
        %get3A_163 = tpu.vector_load %arg10[%get3A_161, %get3A_162] {strides = array<i32>} : memref<128x128xf32, #tpu.memory_space<vmem>>, vector<1x16xf32>,
        %get3A_164 = vector.shape_cast %get3A_163 : vector<1x16xf32> to vector<16xf32>
        %add3A_165 = arith.addf %get3A_160, %get3A_164 : vector<16xf32>
        %get3A_166 = arith.index_cast %scan3A_120 : i32 to index
        %get3A_167 = arith.constant 32 : index
        %get3A_168 = tpu.vector_load %arg11[%get3A_166, %get3A_167] {strides = array<i32>} : memref<128x128xf32, #tpu.memory_space<vmem>>, vector<1x16xf32>,
        %get3A_169 = vector.shape_cast %get3A_168 : vector<1x16xf32> to vector<16xf32>
        %add3A_170 = arith.addf %add3A_165, %get3A_169 : vector<16xf32>
        %swap3A_171 = arith.index_cast %scan3A_120 : i32 to index
        %swap3A_172 = arith.constant 32 : index
        %swap3A_173 = tpu.vector_load %arg9[%swap3A_171, %swap3A_172] {strides = array<i32>} : memref<128x128xf32, #tpu.memory_space<vmem>>, vector<1x16xf32>,
        %swap3A_174 = vector.shape_cast %swap3A_173 : vector<1x16xf32> to vector<16xf32>
        %swap3A_175 = vector.shape_cast %add3A_170 : vector<16xf32> to vector<1x16xf32>
        tpu.vector_store %arg9[%swap3A_171, %swap3A_172], %swap3A_175 {strides = array<i32>} : memref<128x128xf32, #tpu.memory_space<vmem>>, vector<1x16xf32>,
        %get3A_176 = arith.index_cast %scan3A_120 : i32 to index
        %get3A_177 = arith.constant 48 : index
        %get3A_178 = tpu.vector_load %arg9[%get3A_176, %get3A_177] {strides = array<i32>} : memref<128x128xf32, #tpu.memory_space<vmem>>, vector<1x16xf32>,
        %get3A_179 = vector.shape_cast %get3A_178 : vector<1x16xf32> to vector<16xf32>
        %get3A_180 = arith.index_cast %scan3A_120 : i32 to index
        %get3A_181 = arith.constant 48 : index
        %get3A_182 = tpu.vector_load %arg10[%get3A_180, %get3A_181] {strides = array<i32>} : memref<128x128xf32, #tpu.memory_space<vmem>>, vector<1x16xf32>,
        %get3A_183 = vector.shape_cast %get3A_182 : vector<1x16xf32> to vector<16xf32>
        %add3A_184 = arith.addf %get3A_179, %get3A_183 : vector<16xf32>
        %get3A_185 = arith.index_cast %scan3A_120 : i32 to index
        %get3A_186 = arith.constant 48 : index
        %get3A_187 = tpu.vector_load %arg11[%get3A_185, %get3A_186] {strides = array<i32>} : memref<128x128xf32, #tpu.memory_space<vmem>>, vector<1x16xf32>,
        %get3A_188 = vector.shape_cast %get3A_187 : vector<1x16xf32> to vector<16xf32>
        %add3A_189 = arith.addf %add3A_184, %get3A_188 : vector<16xf32>
        %swap3A_190 = arith.index_cast %scan3A_120 : i32 to index
        %swap3A_191 = arith.constant 48 : index
        %swap3A_192 = tpu.vector_load %arg9[%swap3A_190, %swap3A_191] {strides = array<i32>} : memref<128x128xf32, #tpu.memory_space<vmem>>, vector<1x16xf32>,
        %swap3A_193 = vector.shape_cast %swap3A_192 : vector<1x16xf32> to vector<16xf32>
        %swap3A_194 = vector.shape_cast %add3A_189 : vector<16xf32> to vector<1x16xf32>
        tpu.vector_store %arg9[%swap3A_190, %swap3A_191], %swap3A_194 {strides = array<i32>} : memref<128x128xf32, #tpu.memory_space<vmem>>, vector<1x16xf32>,
        %get3A_195 = arith.index_cast %scan3A_120 : i32 to index
        %get3A_196 = arith.constant 64 : index
        %get3A_197 = tpu.vector_load %arg9[%get3A_195, %get3A_196] {strides = array<i32>} : memref<128x128xf32, #tpu.memory_space<vmem>>, vector<1x16xf32>,
        %get3A_198 = vector.shape_cast %get3A_197 : vector<1x16xf32> to vector<16xf32>
        %get3A_199 = arith.index_cast %scan3A_120 : i32 to index
        %get3A_200 = arith.constant 64 : index
        %get3A_201 = tpu.vector_load %arg10[%get3A_199, %get3A_200] {strides = array<i32>} : memref<128x128xf32, #tpu.memory_space<vmem>>, vector<1x16xf32>,
        %get3A_202 = vector.shape_cast %get3A_201 : vector<1x16xf32> to vector<16xf32>
        %add3A_203 = arith.addf %get3A_198, %get3A_202 : vector<16xf32>
        %get3A_204 = arith.index_cast %scan3A_120 : i32 to index
        %get3A_205 = arith.constant 64 : index
        %get3A_206 = tpu.vector_load %arg11[%get3A_204, %get3A_205] {strides = array<i32>} : memref<128x128xf32, #tpu.memory_space<vmem>>, vector<1x16xf32>,
        %get3A_207 = vector.shape_cast %get3A_206 : vector<1x16xf32> to vector<16xf32>
        %add3A_208 = arith.addf %add3A_203, %get3A_207 : vector<16xf32>
        %swap3A_209 = arith.index_cast %scan3A_120 : i32 to index
        %swap3A_210 = arith.constant 64 : index
        %swap3A_211 = tpu.vector_load %arg9[%swap3A_209, %swap3A_210] {strides = array<i32>} : memref<128x128xf32, #tpu.memory_space<vmem>>, vector<1x16xf32>,
        %swap3A_212 = vector.shape_cast %swap3A_211 : vector<1x16xf32> to vector<16xf32>
        %swap3A_213 = vector.shape_cast %add3A_208 : vector<16xf32> to vector<1x16xf32>
        tpu.vector_store %arg9[%swap3A_209, %swap3A_210], %swap3A_213 {strides = array<i32>} : memref<128x128xf32, #tpu.memory_space<vmem>>, vector<1x16xf32>,
        %get3A_214 = arith.index_cast %scan3A_120 : i32 to index
        %get3A_215 = arith.constant 80 : index
        %get3A_216 = tpu.vector_load %arg9[%get3A_214, %get3A_215] {strides = array<i32>} : memref<128x128xf32, #tpu.memory_space<vmem>>, vector<1x16xf32>,
        %get3A_217 = vector.shape_cast %get3A_216 : vector<1x16xf32> to vector<16xf32>
        %get3A_218 = arith.index_cast %scan3A_120 : i32 to index
        %get3A_219 = arith.constant 80 : index
        %get3A_220 = tpu.vector_load %arg10[%get3A_218, %get3A_219] {strides = array<i32>} : memref<128x128xf32, #tpu.memory_space<vmem>>, vector<1x16xf32>,
        %get3A_221 = vector.shape_cast %get3A_220 : vector<1x16xf32> to vector<16xf32>
        %add3A_222 = arith.addf %get3A_217, %get3A_221 : vector<16xf32>
        %get3A_223 = arith.index_cast %scan3A_120 : i32 to index
        %get3A_224 = arith.constant 80 : index
        %get3A_225 = tpu.vector_load %arg11[%get3A_223, %get3A_224] {strides = array<i32>} : memref<128x128xf32, #tpu.memory_space<vmem>>, vector<1x16xf32>,
        %get3A_226 = vector.shape_cast %get3A_225 : vector<1x16xf32> to vector<16xf32>
        %add3A_227 = arith.addf %add3A_222, %get3A_226 : vector<16xf32>
        %swap3A_228 = arith.index_cast %scan3A_120 : i32 to index
        %swap3A_229 = arith.constant 80 : index
        %swap3A_230 = tpu.vector_load %arg9[%swap3A_228, %swap3A_229] {strides = array<i32>} : memref<128x128xf32, #tpu.memory_space<vmem>>, vector<1x16xf32>,
        %swap3A_231 = vector.shape_cast %swap3A_230 : vector<1x16xf32> to vector<16xf32>
        %swap3A_232 = vector.shape_cast %add3A_227 : vector<16xf32> to vector<1x16xf32>
        tpu.vector_store %arg9[%swap3A_228, %swap3A_229], %swap3A_232 {strides = array<i32>} : memref<128x128xf32, #tpu.memory_space<vmem>>, vector<1x16xf32>,
        %get3A_233 = arith.index_cast %scan3A_120 : i32 to index
        %get3A_234 = arith.constant 96 : index
        %get3A_235 = tpu.vector_load %arg9[%get3A_233, %get3A_234] {strides = array<i32>} : memref<128x128xf32, #tpu.memory_space<vmem>>, vector<1x16xf32>,
        %get3A_236 = vector.shape_cast %get3A_235 : vector<1x16xf32> to vector<16xf32>
        %get3A_237 = arith.index_cast %scan3A_120 : i32 to index
        %get3A_238 = arith.constant 96 : index
        %get3A_239 = tpu.vector_load %arg10[%get3A_237, %get3A_238] {strides = array<i32>} : memref<128x128xf32, #tpu.memory_space<vmem>>, vector<1x16xf32>,
        %get3A_240 = vector.shape_cast %get3A_239 : vector<1x16xf32> to vector<16xf32>
        %add3A_241 = arith.addf %get3A_236, %get3A_240 : vector<16xf32>
        %get3A_242 = arith.index_cast %scan3A_120 : i32 to index
        %get3A_243 = arith.constant 96 : index
        %get3A_244 = tpu.vector_load %arg11[%get3A_242, %get3A_243] {strides = array<i32>} : memref<128x128xf32, #tpu.memory_space<vmem>>, vector<1x16xf32>,
        %get3A_245 = vector.shape_cast %get3A_244 : vector<1x16xf32> to vector<16xf32>
        %add3A_246 = arith.addf %add3A_241, %get3A_245 : vector<16xf32>
        %swap3A_247 = arith.index_cast %scan3A_120 : i32 to index
        %swap3A_248 = arith.constant 96 : index
        %swap3A_249 = tpu.vector_load %arg9[%swap3A_247, %swap3A_248] {strides = array<i32>} : memref<128x128xf32, #tpu.memory_space<vmem>>, vector<1x16xf32>,
        %swap3A_250 = vector.shape_cast %swap3A_249 : vector<1x16xf32> to vector<16xf32>
        %swap3A_251 = vector.shape_cast %add3A_246 : vector<16xf32> to vector<1x16xf32>
        tpu.vector_store %arg9[%swap3A_247, %swap3A_248], %swap3A_251 {strides = array<i32>} : memref<128x128xf32, #tpu.memory_space<vmem>>, vector<1x16xf32>,
        %get3A_252 = arith.index_cast %scan3A_120 : i32 to index
        %get3A_253 = arith.constant 112 : index
        %get3A_254 = tpu.vector_load %arg9[%get3A_252, %get3A_253] {strides = array<i32>} : memref<128x128xf32, #tpu.memory_space<vmem>>, vector<1x16xf32>,
        %get3A_255 = vector.shape_cast %get3A_254 : vector<1x16xf32> to vector<16xf32>
        %get3A_256 = arith.index_cast %scan3A_120 : i32 to index
        %get3A_257 = arith.constant 112 : index
        %get3A_258 = tpu.vector_load %arg10[%get3A_256, %get3A_257] {strides = array<i32>} : memref<128x128xf32, #tpu.memory_space<vmem>>, vector<1x16xf32>,
        %get3A_259 = vector.shape_cast %get3A_258 : vector<1x16xf32> to vector<16xf32>
        %add3A_260 = arith.addf %get3A_255, %get3A_259 : vector<16xf32>
        %get3A_261 = arith.index_cast %scan3A_120 : i32 to index
        %get3A_262 = arith.constant 112 : index
        %get3A_263 = tpu.vector_load %arg11[%get3A_261, %get3A_262] {strides = array<i32>} : memref<128x128xf32, #tpu.memory_space<vmem>>, vector<1x16xf32>,
        %get3A_264 = vector.shape_cast %get3A_263 : vector<1x16xf32> to vector<16xf32>
        %add3A_265 = arith.addf %add3A_260, %get3A_264 : vector<16xf32>
        %swap3A_266 = arith.index_cast %scan3A_120 : i32 to index
        %swap3A_267 = arith.constant 112 : index
        %swap3A_268 = tpu.vector_load %arg9[%swap3A_266, %swap3A_267] {strides = array<i32>} : memref<128x128xf32, #tpu.memory_space<vmem>>, vector<1x16xf32>,
        %swap3A_269 = vector.shape_cast %swap3A_268 : vector<1x16xf32> to vector<16xf32>
        %swap3A_270 = vector.shape_cast %add3A_265 : vector<16xf32> to vector<1x16xf32>
        tpu.vector_store %arg9[%swap3A_266, %swap3A_267], %swap3A_270 {strides = array<i32>} : memref<128x128xf32, #tpu.memory_space<vmem>>, vector<1x16xf32>,
      }
      %scan3A_84 = arith.constant 128 : i32
      %add3A_85 = arith.addi %mul3A_2, %mul3A_32 : i32
      %mul3A_86 = arith.constant 128 : i32
      %mul3A_87 = arith.muli %add3A_85, %mul3A_86 : i32
      "tpu.region"() ({
        %run_scoped3A = tpu.sem_alloc : memref<!tpu.dma_semaphore, #tpu.memory_space<semaphore_mem>>
        %dma_start3A_120 = arith.constant 0 : i32
        %dma_start3A_121 = tpu.memref_slice %arg6[%mul3A_87, %dma_start3A_120] : memref<204800x128xf32, #tpu.memory_space<hbm>> -> memref<128x128xf32, #tpu.memory_space<hbm>>
        %dma_start3A_122 = arith.constant 0 : i32
        %dma_start3A_123 = tpu.memref_slice %arg6[%mul3A_87, %dma_start3A_122] : memref<204800x128xf32, #tpu.memory_space<hbm>> -> memref<128x128xf32, #tpu.memory_space<hbm>>
        tpu.enqueue_dma source(%arg9 : memref<128x128xf32, #tpu.memory_space<vmem>>) target(%dma_start3A_123 : memref<128x128xf32, #tpu.memory_space<hbm>>) target_semaphore(%run_scoped3A : memref<!tpu.dma_semaphore, #tpu.memory_space<semaphore_mem>>)
        %dma_wait3A_124 = arith.constant 0 : i32
        %dma_wait3A_125 = tpu.memref_slice %arg6[%mul3A_87, %dma_wait3A_124] : memref<204800x128xf32, #tpu.memory_space<hbm>> -> memref<128x128xf32, #tpu.memory_space<hbm>>
        %dma_wait3A_126 = arith.constant 0 : i32
        %dma_wait3A_127 = tpu.memref_slice %arg6[%mul3A_87, %dma_wait3A_126] : memref<204800x128xf32, #tpu.memory_space<hbm>> -> memref<128x128xf32, #tpu.memory_space<hbm>>
        tpu.wait_dma2 semaphore(%run_scoped3A : memref<!tpu.dma_semaphore, #tpu.memory_space<semaphore_mem>>) src(%arg9 : memref<128x128xf32, #tpu.memory_space<vmem>>) dst(%dma_wait3A_127 : memref<128x128xf32, #tpu.memory_space<hbm>>)
        tpu.yield
      }) : () -> ()
      %lt3A = arith.constant 24 : i32
      %lt3A_88 = arith.cmpi slt, %scan3A_30, %lt3A : i32
      %convert_element_type3A = arith.extui %lt3A_88 : i1 to i32
      %cond3A = arith.constant 0 : i32
      %cond3A_89 = arith.cmpi ne, %convert_element_type3A, %cond3A : i32
      scf.if %cond3A_89 {
        %add3A_120 = arith.constant 2 : i32
        %add3A_121 = arith.addi %mul3A_32, %add3A_120 : i32
        %add3A_122 = arith.addi %mul3A_2, %add3A_121 : i32
        "tpu.region"() ({
          %run_scoped3A = tpu.sem_alloc : memref<!tpu.dma_semaphore, #tpu.memory_space<semaphore_mem>>
          %dma_start3A_144 = arith.constant 0 : i32
          %dma_start3A_145 = arith.constant 0 : i32
          %dma_start3A_146 = tpu.memref_slice %arg2[%add3A_122, %dma_start3A_144, %dma_start3A_145] : memref<1600x3x128xi32, #tpu.memory_space<hbm>> -> memref<1x3x128xi32, #tpu.memory_space<hbm>>
          %dma_start3A_147 = tpu.memref_squeeze %dma_start3A_146 : memref<1x3x128xi32, #tpu.memory_space<hbm>> -> memref<3x128xi32, #tpu.memory_space<hbm>>
          %dma_start3A_148 = arith.constant 0 : i32
          %dma_start3A_149 = arith.constant 0 : i32
          %dma_start3A_150 = tpu.memref_slice %arg2[%add3A_122, %dma_start3A_148, %dma_start3A_149] : memref<1600x3x128xi32, #tpu.memory_space<hbm>> -> memref<1x3x128xi32, #tpu.memory_space<hbm>>
          %dma_start3A_151 = tpu.memref_squeeze %dma_start3A_150 : memref<1x3x128xi32, #tpu.memory_space<hbm>> -> memref<3x128xi32, #tpu.memory_space<hbm>>
          tpu.enqueue_dma source(%dma_start3A_151 : memref<3x128xi32, #tpu.memory_space<hbm>>) target(%arg7 : memref<3x128xi32, #tpu.memory_space<vmem>>) target_semaphore(%run_scoped3A : memref<!tpu.dma_semaphore, #tpu.memory_space<semaphore_mem>>)
          %dma_wait3A_152 = arith.constant 0 : i32
          %dma_wait3A_153 = arith.constant 0 : i32
          %dma_wait3A_154 = tpu.memref_slice %arg2[%add3A_122, %dma_wait3A_152, %dma_wait3A_153] : memref<1600x3x128xi32, #tpu.memory_space<hbm>> -> memref<1x3x128xi32, #tpu.memory_space<hbm>>
          %dma_wait3A_155 = tpu.memref_squeeze %dma_wait3A_154 : memref<1x3x128xi32, #tpu.memory_space<hbm>> -> memref<3x128xi32, #tpu.memory_space<hbm>>
          %dma_wait3A_156 = arith.constant 0 : i32
          %dma_wait3A_157 = arith.constant 0 : i32
          %dma_wait3A_158 = tpu.memref_slice %arg2[%add3A_122, %dma_wait3A_156, %dma_wait3A_157] : memref<1600x3x128xi32, #tpu.memory_space<hbm>> -> memref<1x3x128xi32, #tpu.memory_space<hbm>>
          %dma_wait3A_159 = tpu.memref_squeeze %dma_wait3A_158 : memref<1x3x128xi32, #tpu.memory_space<hbm>> -> memref<3x128xi32, #tpu.memory_space<hbm>>
          tpu.wait_dma2 semaphore(%run_scoped3A : memref<!tpu.dma_semaphore, #tpu.memory_space<semaphore_mem>>) src(%dma_wait3A_159 : memref<3x128xi32, #tpu.memory_space<hbm>>) dst(%arg7 : memref<3x128xi32, #tpu.memory_space<vmem>>)
          tpu.yield
        }) : () -> ()
        %dma_start3A_123 = arith.constant 0 : i32
        %dma_start3A_124 = arith.constant 0 : i32
        %dma_start3A_125 = tpu.memref_slice %arg7[%dma_start3A_123, %dma_start3A_124] : memref<3x128xi32, #tpu.memory_space<vmem>> -> memref<1x128xi32, #tpu.memory_space<vmem>>
        %dma_start3A_126 = tpu.memref_squeeze %dma_start3A_125 : memref<1x128xi32, #tpu.memory_space<vmem>> -> memref<128xi32, #tpu.memory_space<vmem>>
        %dma_start3A_127 = arith.constant 0 : i32
        %dma_start3A_128 = arith.constant 0 : i32
        %dma_start3A_129 = tpu.memref_slice %arg3[%dma_start3A_127, %dma_start3A_128] : memref<100000x128xf32, #tpu.memory_space<hbm>> -> memref<100000x128xf32, #tpu.memory_space<hbm>>
        tpu.enqueue_indirect_dma source(%dma_start3A_129 : memref<100000x128xf32, #tpu.memory_space<hbm>>) target(%arg9 : memref<128x128xf32, #tpu.memory_space<vmem>>) offsets(%dma_start3A_126 : memref<128xi32, #tpu.memory_space<vmem>>) semaphore(%arg15 : memref<!tpu.dma_semaphore, #tpu.memory_space<semaphore_mem>>)
        %dma_start3A_130 = arith.constant 1 : i32
        %dma_start3A_131 = arith.constant 0 : i32
        %dma_start3A_132 = tpu.memref_slice %arg7[%dma_start3A_130, %dma_start3A_131] : memref<3x128xi32, #tpu.memory_space<vmem>> -> memref<1x128xi32, #tpu.memory_space<vmem>>
        %dma_start3A_133 = tpu.memref_squeeze %dma_start3A_132 : memref<1x128xi32, #tpu.memory_space<vmem>> -> memref<128xi32, #tpu.memory_space<vmem>>
        %dma_start3A_134 = arith.constant 0 : i32
        %dma_start3A_135 = arith.constant 0 : i32
        %dma_start3A_136 = tpu.memref_slice %arg4[%dma_start3A_134, %dma_start3A_135] : memref<50000x128xf32, #tpu.memory_space<hbm>> -> memref<50000x128xf32, #tpu.memory_space<hbm>>
        tpu.enqueue_indirect_dma source(%dma_start3A_136 : memref<50000x128xf32, #tpu.memory_space<hbm>>) target(%arg10 : memref<128x128xf32, #tpu.memory_space<vmem>>) offsets(%dma_start3A_133 : memref<128xi32, #tpu.memory_space<vmem>>) semaphore(%arg16 : memref<!tpu.dma_semaphore, #tpu.memory_space<semaphore_mem>>)
        %dma_start3A_137 = arith.constant 2 : i32
        %dma_start3A_138 = arith.constant 0 : i32
        %dma_start3A_139 = tpu.memref_slice %arg7[%dma_start3A_137, %dma_start3A_138] : memref<3x128xi32, #tpu.memory_space<vmem>> -> memref<1x128xi32, #tpu.memory_space<vmem>>
        %dma_start3A_140 = tpu.memref_squeeze %dma_start3A_139 : memref<1x128xi32, #tpu.memory_space<vmem>> -> memref<128xi32, #tpu.memory_space<vmem>>
        %dma_start3A_141 = arith.constant 0 : i32
        %dma_start3A_142 = arith.constant 0 : i32
        %dma_start3A_143 = tpu.memref_slice %arg5[%dma_start3A_141, %dma_start3A_142] : memref<100000x128xf32, #tpu.memory_space<hbm>> -> memref<100000x128xf32, #tpu.memory_space<hbm>>
        tpu.enqueue_indirect_dma source(%dma_start3A_143 : memref<100000x128xf32, #tpu.memory_space<hbm>>) target(%arg11 : memref<128x128xf32, #tpu.memory_space<vmem>>) offsets(%dma_start3A_140 : memref<128xi32, #tpu.memory_space<vmem>>) semaphore(%arg17 : memref<!tpu.dma_semaphore, #tpu.memory_space<semaphore_mem>>)
      } else {
      }
      %dma_wait3A_90 = arith.constant 0 : i32
      %dma_wait3A_91 = arith.constant 0 : i32
      %dma_wait3A_92 = tpu.memref_slice %arg8[%dma_wait3A_90, %dma_wait3A_91] : memref<3x128xi32, #tpu.memory_space<vmem>> -> memref<1x128xi32, #tpu.memory_space<vmem>>
      %dma_wait3A_93 = tpu.memref_squeeze %dma_wait3A_92 : memref<1x128xi32, #tpu.memory_space<vmem>> -> memref<128xi32, #tpu.memory_space<vmem>>
      %dma_wait3A_94 = arith.constant 0 : i32
      %dma_wait3A_95 = arith.constant 0 : i32
      %dma_wait3A_96 = tpu.memref_slice %arg3[%dma_wait3A_94, %dma_wait3A_95] : memref<100000x128xf32, #tpu.memory_space<hbm>> -> memref<100000x128xf32, #tpu.memory_space<hbm>>
      tpu.wait_indirect_dma semaphore(%arg18 : memref<!tpu.dma_semaphore, #tpu.memory_space<semaphore_mem>>) src(%dma_wait3A_96 : memref<100000x128xf32, #tpu.memory_space<hbm>>) dst(%arg12 : memref<128x128xf32, #tpu.memory_space<vmem>>)
      %dma_wait3A_97 = arith.constant 1 : i32
      %dma_wait3A_98 = arith.constant 0 : i32
      %dma_wait3A_99 = tpu.memref_slice %arg8[%dma_wait3A_97, %dma_wait3A_98] : memref<3x128xi32, #tpu.memory_space<vmem>> -> memref<1x128xi32, #tpu.memory_space<vmem>>
      %dma_wait3A_100 = tpu.memref_squeeze %dma_wait3A_99 : memref<1x128xi32, #tpu.memory_space<vmem>> -> memref<128xi32, #tpu.memory_space<vmem>>
      %dma_wait3A_101 = arith.constant 0 : i32
      %dma_wait3A_102 = arith.constant 0 : i32
      %dma_wait3A_103 = tpu.memref_slice %arg4[%dma_wait3A_101, %dma_wait3A_102] : memref<50000x128xf32, #tpu.memory_space<hbm>> -> memref<50000x128xf32, #tpu.memory_space<hbm>>
      tpu.wait_indirect_dma semaphore(%arg19 : memref<!tpu.dma_semaphore, #tpu.memory_space<semaphore_mem>>) src(%dma_wait3A_103 : memref<50000x128xf32, #tpu.memory_space<hbm>>) dst(%arg13 : memref<128x128xf32, #tpu.memory_space<vmem>>)
      %dma_wait3A_104 = arith.constant 2 : i32
      %dma_wait3A_105 = arith.constant 0 : i32
      %dma_wait3A_106 = tpu.memref_slice %arg8[%dma_wait3A_104, %dma_wait3A_105] : memref<3x128xi32, #tpu.memory_space<vmem>> -> memref<1x128xi32, #tpu.memory_space<vmem>>
      %dma_wait3A_107 = tpu.memref_squeeze %dma_wait3A_106 : memref<1x128xi32, #tpu.memory_space<vmem>> -> memref<128xi32, #tpu.memory_space<vmem>>
      %dma_wait3A_108 = arith.constant 0 : i32
      %dma_wait3A_109 = arith.constant 0 : i32
      %dma_wait3A_110 = tpu.memref_slice %arg5[%dma_wait3A_108, %dma_wait3A_109] : memref<100000x128xf32, #tpu.memory_space<hbm>> -> memref<100000x128xf32, #tpu.memory_space<hbm>>
      tpu.wait_indirect_dma semaphore(%arg20 : memref<!tpu.dma_semaphore, #tpu.memory_space<semaphore_mem>>) src(%dma_wait3A_110 : memref<100000x128xf32, #tpu.memory_space<hbm>>) dst(%arg14 : memref<128x128xf32, #tpu.memory_space<vmem>>)
      %scan3A_111 = arith.constant 0 : i32
      %scan3A_112 = arith.constant 0 : i32
      %scan3A_113 = arith.constant 128 : i32
      %scan3A_114 = arith.addi %scan3A_112, %scan3A_113 : i32
      %scan3A_115 = arith.constant 1 : i32
      scf.for %scan3A_120 = %scan3A_112 to %scan3A_114 step %scan3A_115  : i32 {
        %get3A = arith.index_cast %scan3A_120 : i32 to index
        %get3A_121 = arith.constant 0 : index
        %get3A_122 = tpu.vector_load %arg12[%get3A, %get3A_121] {strides = array<i32>} : memref<128x128xf32, #tpu.memory_space<vmem>>, vector<1x16xf32>,
        %get3A_123 = vector.shape_cast %get3A_122 : vector<1x16xf32> to vector<16xf32>
        %get3A_124 = arith.index_cast %scan3A_120 : i32 to index
        %get3A_125 = arith.constant 0 : index
        %get3A_126 = tpu.vector_load %arg13[%get3A_124, %get3A_125] {strides = array<i32>} : memref<128x128xf32, #tpu.memory_space<vmem>>, vector<1x16xf32>,
        %get3A_127 = vector.shape_cast %get3A_126 : vector<1x16xf32> to vector<16xf32>
        %add3A_128 = arith.addf %get3A_123, %get3A_127 : vector<16xf32>
        %get3A_129 = arith.index_cast %scan3A_120 : i32 to index
        %get3A_130 = arith.constant 0 : index
        %get3A_131 = tpu.vector_load %arg14[%get3A_129, %get3A_130] {strides = array<i32>} : memref<128x128xf32, #tpu.memory_space<vmem>>, vector<1x16xf32>,
        %get3A_132 = vector.shape_cast %get3A_131 : vector<1x16xf32> to vector<16xf32>
        %add3A_133 = arith.addf %add3A_128, %get3A_132 : vector<16xf32>
        %swap3A = arith.index_cast %scan3A_120 : i32 to index
        %swap3A_134 = arith.constant 0 : index
        %swap3A_135 = tpu.vector_load %arg12[%swap3A, %swap3A_134] {strides = array<i32>} : memref<128x128xf32, #tpu.memory_space<vmem>>, vector<1x16xf32>,
        %swap3A_136 = vector.shape_cast %swap3A_135 : vector<1x16xf32> to vector<16xf32>
        %swap3A_137 = vector.shape_cast %add3A_133 : vector<16xf32> to vector<1x16xf32>
        tpu.vector_store %arg12[%swap3A, %swap3A_134], %swap3A_137 {strides = array<i32>} : memref<128x128xf32, #tpu.memory_space<vmem>>, vector<1x16xf32>,
        %get3A_138 = arith.index_cast %scan3A_120 : i32 to index
        %get3A_139 = arith.constant 16 : index
        %get3A_140 = tpu.vector_load %arg12[%get3A_138, %get3A_139] {strides = array<i32>} : memref<128x128xf32, #tpu.memory_space<vmem>>, vector<1x16xf32>,
        %get3A_141 = vector.shape_cast %get3A_140 : vector<1x16xf32> to vector<16xf32>
        %get3A_142 = arith.index_cast %scan3A_120 : i32 to index
        %get3A_143 = arith.constant 16 : index
        %get3A_144 = tpu.vector_load %arg13[%get3A_142, %get3A_143] {strides = array<i32>} : memref<128x128xf32, #tpu.memory_space<vmem>>, vector<1x16xf32>,
        %get3A_145 = vector.shape_cast %get3A_144 : vector<1x16xf32> to vector<16xf32>
        %add3A_146 = arith.addf %get3A_141, %get3A_145 : vector<16xf32>
        %get3A_147 = arith.index_cast %scan3A_120 : i32 to index
        %get3A_148 = arith.constant 16 : index
        %get3A_149 = tpu.vector_load %arg14[%get3A_147, %get3A_148] {strides = array<i32>} : memref<128x128xf32, #tpu.memory_space<vmem>>, vector<1x16xf32>,
        %get3A_150 = vector.shape_cast %get3A_149 : vector<1x16xf32> to vector<16xf32>
        %add3A_151 = arith.addf %add3A_146, %get3A_150 : vector<16xf32>
        %swap3A_152 = arith.index_cast %scan3A_120 : i32 to index
        %swap3A_153 = arith.constant 16 : index
        %swap3A_154 = tpu.vector_load %arg12[%swap3A_152, %swap3A_153] {strides = array<i32>} : memref<128x128xf32, #tpu.memory_space<vmem>>, vector<1x16xf32>,
        %swap3A_155 = vector.shape_cast %swap3A_154 : vector<1x16xf32> to vector<16xf32>
        %swap3A_156 = vector.shape_cast %add3A_151 : vector<16xf32> to vector<1x16xf32>
        tpu.vector_store %arg12[%swap3A_152, %swap3A_153], %swap3A_156 {strides = array<i32>} : memref<128x128xf32, #tpu.memory_space<vmem>>, vector<1x16xf32>,
        %get3A_157 = arith.index_cast %scan3A_120 : i32 to index
        %get3A_158 = arith.constant 32 : index
        %get3A_159 = tpu.vector_load %arg12[%get3A_157, %get3A_158] {strides = array<i32>} : memref<128x128xf32, #tpu.memory_space<vmem>>, vector<1x16xf32>,
        %get3A_160 = vector.shape_cast %get3A_159 : vector<1x16xf32> to vector<16xf32>
        %get3A_161 = arith.index_cast %scan3A_120 : i32 to index
        %get3A_162 = arith.constant 32 : index
        %get3A_163 = tpu.vector_load %arg13[%get3A_161, %get3A_162] {strides = array<i32>} : memref<128x128xf32, #tpu.memory_space<vmem>>, vector<1x16xf32>,
        %get3A_164 = vector.shape_cast %get3A_163 : vector<1x16xf32> to vector<16xf32>
        %add3A_165 = arith.addf %get3A_160, %get3A_164 : vector<16xf32>
        %get3A_166 = arith.index_cast %scan3A_120 : i32 to index
        %get3A_167 = arith.constant 32 : index
        %get3A_168 = tpu.vector_load %arg14[%get3A_166, %get3A_167] {strides = array<i32>} : memref<128x128xf32, #tpu.memory_space<vmem>>, vector<1x16xf32>,
        %get3A_169 = vector.shape_cast %get3A_168 : vector<1x16xf32> to vector<16xf32>
        %add3A_170 = arith.addf %add3A_165, %get3A_169 : vector<16xf32>
        %swap3A_171 = arith.index_cast %scan3A_120 : i32 to index
        %swap3A_172 = arith.constant 32 : index
        %swap3A_173 = tpu.vector_load %arg12[%swap3A_171, %swap3A_172] {strides = array<i32>} : memref<128x128xf32, #tpu.memory_space<vmem>>, vector<1x16xf32>,
        %swap3A_174 = vector.shape_cast %swap3A_173 : vector<1x16xf32> to vector<16xf32>
        %swap3A_175 = vector.shape_cast %add3A_170 : vector<16xf32> to vector<1x16xf32>
        tpu.vector_store %arg12[%swap3A_171, %swap3A_172], %swap3A_175 {strides = array<i32>} : memref<128x128xf32, #tpu.memory_space<vmem>>, vector<1x16xf32>,
        %get3A_176 = arith.index_cast %scan3A_120 : i32 to index
        %get3A_177 = arith.constant 48 : index
        %get3A_178 = tpu.vector_load %arg12[%get3A_176, %get3A_177] {strides = array<i32>} : memref<128x128xf32, #tpu.memory_space<vmem>>, vector<1x16xf32>,
        %get3A_179 = vector.shape_cast %get3A_178 : vector<1x16xf32> to vector<16xf32>
        %get3A_180 = arith.index_cast %scan3A_120 : i32 to index
        %get3A_181 = arith.constant 48 : index
        %get3A_182 = tpu.vector_load %arg13[%get3A_180, %get3A_181] {strides = array<i32>} : memref<128x128xf32, #tpu.memory_space<vmem>>, vector<1x16xf32>,
        %get3A_183 = vector.shape_cast %get3A_182 : vector<1x16xf32> to vector<16xf32>
        %add3A_184 = arith.addf %get3A_179, %get3A_183 : vector<16xf32>
        %get3A_185 = arith.index_cast %scan3A_120 : i32 to index
        %get3A_186 = arith.constant 48 : index
        %get3A_187 = tpu.vector_load %arg14[%get3A_185, %get3A_186] {strides = array<i32>} : memref<128x128xf32, #tpu.memory_space<vmem>>, vector<1x16xf32>,
        %get3A_188 = vector.shape_cast %get3A_187 : vector<1x16xf32> to vector<16xf32>
        %add3A_189 = arith.addf %add3A_184, %get3A_188 : vector<16xf32>
        %swap3A_190 = arith.index_cast %scan3A_120 : i32 to index
        %swap3A_191 = arith.constant 48 : index
        %swap3A_192 = tpu.vector_load %arg12[%swap3A_190, %swap3A_191] {strides = array<i32>} : memref<128x128xf32, #tpu.memory_space<vmem>>, vector<1x16xf32>,
        %swap3A_193 = vector.shape_cast %swap3A_192 : vector<1x16xf32> to vector<16xf32>
        %swap3A_194 = vector.shape_cast %add3A_189 : vector<16xf32> to vector<1x16xf32>
        tpu.vector_store %arg12[%swap3A_190, %swap3A_191], %swap3A_194 {strides = array<i32>} : memref<128x128xf32, #tpu.memory_space<vmem>>, vector<1x16xf32>,
        %get3A_195 = arith.index_cast %scan3A_120 : i32 to index
        %get3A_196 = arith.constant 64 : index
        %get3A_197 = tpu.vector_load %arg12[%get3A_195, %get3A_196] {strides = array<i32>} : memref<128x128xf32, #tpu.memory_space<vmem>>, vector<1x16xf32>,
        %get3A_198 = vector.shape_cast %get3A_197 : vector<1x16xf32> to vector<16xf32>
        %get3A_199 = arith.index_cast %scan3A_120 : i32 to index
        %get3A_200 = arith.constant 64 : index
        %get3A_201 = tpu.vector_load %arg13[%get3A_199, %get3A_200] {strides = array<i32>} : memref<128x128xf32, #tpu.memory_space<vmem>>, vector<1x16xf32>,
        %get3A_202 = vector.shape_cast %get3A_201 : vector<1x16xf32> to vector<16xf32>
        %add3A_203 = arith.addf %get3A_198, %get3A_202 : vector<16xf32>
        %get3A_204 = arith.index_cast %scan3A_120 : i32 to index
        %get3A_205 = arith.constant 64 : index
        %get3A_206 = tpu.vector_load %arg14[%get3A_204, %get3A_205] {strides = array<i32>} : memref<128x128xf32, #tpu.memory_space<vmem>>, vector<1x16xf32>,
        %get3A_207 = vector.shape_cast %get3A_206 : vector<1x16xf32> to vector<16xf32>
        %add3A_208 = arith.addf %add3A_203, %get3A_207 : vector<16xf32>
        %swap3A_209 = arith.index_cast %scan3A_120 : i32 to index
        %swap3A_210 = arith.constant 64 : index
        %swap3A_211 = tpu.vector_load %arg12[%swap3A_209, %swap3A_210] {strides = array<i32>} : memref<128x128xf32, #tpu.memory_space<vmem>>, vector<1x16xf32>,
        %swap3A_212 = vector.shape_cast %swap3A_211 : vector<1x16xf32> to vector<16xf32>
        %swap3A_213 = vector.shape_cast %add3A_208 : vector<16xf32> to vector<1x16xf32>
        tpu.vector_store %arg12[%swap3A_209, %swap3A_210], %swap3A_213 {strides = array<i32>} : memref<128x128xf32, #tpu.memory_space<vmem>>, vector<1x16xf32>,
        %get3A_214 = arith.index_cast %scan3A_120 : i32 to index
        %get3A_215 = arith.constant 80 : index
        %get3A_216 = tpu.vector_load %arg12[%get3A_214, %get3A_215] {strides = array<i32>} : memref<128x128xf32, #tpu.memory_space<vmem>>, vector<1x16xf32>,
        %get3A_217 = vector.shape_cast %get3A_216 : vector<1x16xf32> to vector<16xf32>
        %get3A_218 = arith.index_cast %scan3A_120 : i32 to index
        %get3A_219 = arith.constant 80 : index
        %get3A_220 = tpu.vector_load %arg13[%get3A_218, %get3A_219] {strides = array<i32>} : memref<128x128xf32, #tpu.memory_space<vmem>>, vector<1x16xf32>,
        %get3A_221 = vector.shape_cast %get3A_220 : vector<1x16xf32> to vector<16xf32>
        %add3A_222 = arith.addf %get3A_217, %get3A_221 : vector<16xf32>
        %get3A_223 = arith.index_cast %scan3A_120 : i32 to index
        %get3A_224 = arith.constant 80 : index
        %get3A_225 = tpu.vector_load %arg14[%get3A_223, %get3A_224] {strides = array<i32>} : memref<128x128xf32, #tpu.memory_space<vmem>>, vector<1x16xf32>,
        %get3A_226 = vector.shape_cast %get3A_225 : vector<1x16xf32> to vector<16xf32>
        %add3A_227 = arith.addf %add3A_222, %get3A_226 : vector<16xf32>
        %swap3A_228 = arith.index_cast %scan3A_120 : i32 to index
        %swap3A_229 = arith.constant 80 : index
        %swap3A_230 = tpu.vector_load %arg12[%swap3A_228, %swap3A_229] {strides = array<i32>} : memref<128x128xf32, #tpu.memory_space<vmem>>, vector<1x16xf32>,
        %swap3A_231 = vector.shape_cast %swap3A_230 : vector<1x16xf32> to vector<16xf32>
        %swap3A_232 = vector.shape_cast %add3A_227 : vector<16xf32> to vector<1x16xf32>
        tpu.vector_store %arg12[%swap3A_228, %swap3A_229], %swap3A_232 {strides = array<i32>} : memref<128x128xf32, #tpu.memory_space<vmem>>, vector<1x16xf32>,
        %get3A_233 = arith.index_cast %scan3A_120 : i32 to index
        %get3A_234 = arith.constant 96 : index
        %get3A_235 = tpu.vector_load %arg12[%get3A_233, %get3A_234] {strides = array<i32>} : memref<128x128xf32, #tpu.memory_space<vmem>>, vector<1x16xf32>,
        %get3A_236 = vector.shape_cast %get3A_235 : vector<1x16xf32> to vector<16xf32>
        %get3A_237 = arith.index_cast %scan3A_120 : i32 to index
        %get3A_238 = arith.constant 96 : index
        %get3A_239 = tpu.vector_load %arg13[%get3A_237, %get3A_238] {strides = array<i32>} : memref<128x128xf32, #tpu.memory_space<vmem>>, vector<1x16xf32>,
        %get3A_240 = vector.shape_cast %get3A_239 : vector<1x16xf32> to vector<16xf32>
        %add3A_241 = arith.addf %get3A_236, %get3A_240 : vector<16xf32>
        %get3A_242 = arith.index_cast %scan3A_120 : i32 to index
        %get3A_243 = arith.constant 96 : index
        %get3A_244 = tpu.vector_load %arg14[%get3A_242, %get3A_243] {strides = array<i32>} : memref<128x128xf32, #tpu.memory_space<vmem>>, vector<1x16xf32>,
        %get3A_245 = vector.shape_cast %get3A_244 : vector<1x16xf32> to vector<16xf32>
        %add3A_246 = arith.addf %add3A_241, %get3A_245 : vector<16xf32>
        %swap3A_247 = arith.index_cast %scan3A_120 : i32 to index
        %swap3A_248 = arith.constant 96 : index
        %swap3A_249 = tpu.vector_load %arg12[%swap3A_247, %swap3A_248] {strides = array<i32>} : memref<128x128xf32, #tpu.memory_space<vmem>>, vector<1x16xf32>,
        %swap3A_250 = vector.shape_cast %swap3A_249 : vector<1x16xf32> to vector<16xf32>
        %swap3A_251 = vector.shape_cast %add3A_246 : vector<16xf32> to vector<1x16xf32>
        tpu.vector_store %arg12[%swap3A_247, %swap3A_248], %swap3A_251 {strides = array<i32>} : memref<128x128xf32, #tpu.memory_space<vmem>>, vector<1x16xf32>,
        %get3A_252 = arith.index_cast %scan3A_120 : i32 to index
        %get3A_253 = arith.constant 112 : index
        %get3A_254 = tpu.vector_load %arg12[%get3A_252, %get3A_253] {strides = array<i32>} : memref<128x128xf32, #tpu.memory_space<vmem>>, vector<1x16xf32>,
        %get3A_255 = vector.shape_cast %get3A_254 : vector<1x16xf32> to vector<16xf32>
        %get3A_256 = arith.index_cast %scan3A_120 : i32 to index
        %get3A_257 = arith.constant 112 : index
        %get3A_258 = tpu.vector_load %arg13[%get3A_256, %get3A_257] {strides = array<i32>} : memref<128x128xf32, #tpu.memory_space<vmem>>, vector<1x16xf32>,
        %get3A_259 = vector.shape_cast %get3A_258 : vector<1x16xf32> to vector<16xf32>
        %add3A_260 = arith.addf %get3A_255, %get3A_259 : vector<16xf32>
        %get3A_261 = arith.index_cast %scan3A_120 : i32 to index
        %get3A_262 = arith.constant 112 : index
        %get3A_263 = tpu.vector_load %arg14[%get3A_261, %get3A_262] {strides = array<i32>} : memref<128x128xf32, #tpu.memory_space<vmem>>, vector<1x16xf32>,
        %get3A_264 = vector.shape_cast %get3A_263 : vector<1x16xf32> to vector<16xf32>
        %add3A_265 = arith.addf %add3A_260, %get3A_264 : vector<16xf32>
        %swap3A_266 = arith.index_cast %scan3A_120 : i32 to index
        %swap3A_267 = arith.constant 112 : index
        %swap3A_268 = tpu.vector_load %arg12[%swap3A_266, %swap3A_267] {strides = array<i32>} : memref<128x128xf32, #tpu.memory_space<vmem>>, vector<1x16xf32>,
        %swap3A_269 = vector.shape_cast %swap3A_268 : vector<1x16xf32> to vector<16xf32>
        %swap3A_270 = vector.shape_cast %add3A_265 : vector<16xf32> to vector<1x16xf32>
        tpu.vector_store %arg12[%swap3A_266, %swap3A_267], %swap3A_270 {strides = array<i32>} : memref<128x128xf32, #tpu.memory_space<vmem>>, vector<1x16xf32>,
      }
      %scan3A_116 = arith.constant 128 : i32
      %add3A_117 = arith.addi %mul3A_2, %add3A_36 : i32
      %mul3A_118 = arith.constant 128 : i32
      %mul3A_119 = arith.muli %add3A_117, %mul3A_118 : i32
      "tpu.region"() ({
        %run_scoped3A = tpu.sem_alloc : memref<!tpu.dma_semaphore, #tpu.memory_space<semaphore_mem>>
        %dma_start3A_120 = arith.constant 0 : i32
        %dma_start3A_121 = tpu.memref_slice %arg6[%mul3A_119, %dma_start3A_120] : memref<204800x128xf32, #tpu.memory_space<hbm>> -> memref<128x128xf32, #tpu.memory_space<hbm>>
        %dma_start3A_122 = arith.constant 0 : i32
        %dma_start3A_123 = tpu.memref_slice %arg6[%mul3A_119, %dma_start3A_122] : memref<204800x128xf32, #tpu.memory_space<hbm>> -> memref<128x128xf32, #tpu.memory_space<hbm>>
        tpu.enqueue_dma source(%arg12 : memref<128x128xf32, #tpu.memory_space<vmem>>) target(%dma_start3A_123 : memref<128x128xf32, #tpu.memory_space<hbm>>) target_semaphore(%run_scoped3A : memref<!tpu.dma_semaphore, #tpu.memory_space<semaphore_mem>>)
        %dma_wait3A_124 = arith.constant 0 : i32
        %dma_wait3A_125 = tpu.memref_slice %arg6[%mul3A_119, %dma_wait3A_124] : memref<204800x128xf32, #tpu.memory_space<hbm>> -> memref<128x128xf32, #tpu.memory_space<hbm>>
        %dma_wait3A_126 = arith.constant 0 : i32
        %dma_wait3A_127 = tpu.memref_slice %arg6[%mul3A_119, %dma_wait3A_126] : memref<204800x128xf32, #tpu.memory_space<hbm>> -> memref<128x128xf32, #tpu.memory_space<hbm>>
        tpu.wait_dma2 semaphore(%run_scoped3A : memref<!tpu.dma_semaphore, #tpu.memory_space<semaphore_mem>>) src(%arg12 : memref<128x128xf32, #tpu.memory_space<vmem>>) dst(%dma_wait3A_127 : memref<128x128xf32, #tpu.memory_space<hbm>>)
        tpu.yield
      }) : () -> ()
    }
    %scan3A_29 = arith.constant 25 : i32
    return
  }
}

module attributes {stable_mosaic.version = 14 : i64} {
  func.func @_transform1_body(%arg0: i32, %arg1: memref<2000x128xf32, #tpu.memory_space<vmem>>, %arg2: memref<128x128xf32, #tpu.memory_space<vmem>>, %arg3: memref<2000x128xf32, #tpu.memory_space<vmem>>) attributes {dimension_semantics = [#tpu.dimension_semantics<arbitrary>], iteration_bounds = array<i64: 25>, scalar_prefetch = 0 : i64, scratch_operands = 0 : i64, tpu.core_type = #tpu.core_type<tc>, window_params = [{transform_indices = @transform_0, window_bounds = array<i64: 2000, 128>}, {pipeline_mode = #tpu.pipeline_mode<synchronous>, transform_indices = @transform_1, window_bounds = array<i64: 128, 128>}, {transform_indices = @transform_2, window_bounds = array<i64: 2000, 128>}]} {
    %get3A = arith.constant 0 : index
    %get3A_0 = arith.constant 0 : index
    %get3A_1 = vector.load %arg1[%get3A, %get3A_0] : memref<2000x128xf32, #tpu.memory_space<vmem>>, vector<2000x128xf32>
    %get3A_2 = arith.constant 0 : index
    %get3A_3 = arith.constant 0 : index
    %get3A_4 = vector.load %arg2[%get3A_2, %get3A_3] : memref<128x128xf32, #tpu.memory_space<vmem>>, vector<128x128xf32>
    %dot_general3A = arith.constant dense<0.000000e+00> : vector<2000x128xf32>
    %dot_general3A_5 = tpu.matmul %get3A_1, %get3A_4, %dot_general3A {dimension_numbers = #tpu.dot_dimension_numbers<[1], [0], [0], [1], [0, 0, 1, 1], [], []>, transpose_lhs_hint = false} : vector<2000x128xf32>, vector<128x128xf32>, vector<2000x128xf32> -> vector<2000x128xf32>
    %swap3A = arith.constant 0 : index
    %swap3A_6 = arith.constant 0 : index
    %swap3A_7 = vector.load %arg3[%swap3A, %swap3A_6] : memref<2000x128xf32, #tpu.memory_space<vmem>>, vector<2000x128xf32>
    tpu.vector_store %arg3[%swap3A, %swap3A_6], %dot_general3A_5 {strides = array<i32>} : memref<2000x128xf32, #tpu.memory_space<vmem>>, vector<2000x128xf32>,
    return
  }
  func.func @transform_0(%arg0: i32) -> (i32, i32) {
    %c0_i32 = arith.constant 0 : i32
    %c0_i32_0 = arith.constant 0 : i32
    return %arg0, %c0_i32 : i32, i32
  }
  func.func @transform_1(%arg0: i32) -> (i32, i32) {
    %c0_i32 = arith.constant 0 : i32
    %c0_i32_0 = arith.constant 0 : i32
    %c0_i32_1 = arith.constant 0 : i32
    return %c0_i32, %c0_i32_0 : i32, i32
  }
  func.func @transform_2(%arg0: i32) -> (i32, i32) {
    %c0_i32 = arith.constant 0 : i32
    %c0_i32_0 = arith.constant 0 : i32
    return %arg0, %c0_i32 : i32, i32
  }
}

module attributes {stable_mosaic.version = 14 : i64} {
  func.func @_transform2_body(%arg0: i32, %arg1: memref<2000x128xf32, #tpu.memory_space<vmem>>, %arg2: memref<128x128xf32, #tpu.memory_space<vmem>>, %arg3: memref<128x128xf32, #tpu.memory_space<vmem>>, %arg4: memref<2000x128xf32, #tpu.memory_space<vmem>>, %arg5: memref<2000x128xf32, #tpu.memory_space<vmem>>) attributes {dimension_semantics = [#tpu.dimension_semantics<arbitrary>], iteration_bounds = array<i64: 50>, scalar_prefetch = 0 : i64, scratch_operands = 0 : i64, tpu.core_type = #tpu.core_type<tc>, window_params = [{transform_indices = @transform_0, window_bounds = array<i64: 2000, 128>}, {pipeline_mode = #tpu.pipeline_mode<synchronous>, transform_indices = @transform_1, window_bounds = array<i64: 128, 128>}, {pipeline_mode = #tpu.pipeline_mode<synchronous>, transform_indices = @transform_2, window_bounds = array<i64: 128, 128>}, {transform_indices = @transform_3, window_bounds = array<i64: 2000, 128>}, {transform_indices = @transform_4, window_bounds = array<i64: 2000, 128>}]} {
    %get3A = arith.constant 0 : index
    %get3A_0 = arith.constant 0 : index
    %get3A_1 = vector.load %arg1[%get3A, %get3A_0] : memref<2000x128xf32, #tpu.memory_space<vmem>>, vector<2000x128xf32>
    %get3A_2 = arith.constant 0 : index
    %get3A_3 = arith.constant 0 : index
    %get3A_4 = vector.load %arg2[%get3A_2, %get3A_3] : memref<128x128xf32, #tpu.memory_space<vmem>>, vector<128x128xf32>
    %dot_general3A = arith.constant dense<0.000000e+00> : vector<2000x128xf32>
    %dot_general3A_5 = tpu.matmul %get3A_1, %get3A_4, %dot_general3A {dimension_numbers = #tpu.dot_dimension_numbers<[1], [0], [0], [1], [0, 0, 1, 1], [], []>, transpose_lhs_hint = false} : vector<2000x128xf32>, vector<128x128xf32>, vector<2000x128xf32> -> vector<2000x128xf32>
    %swap3A = arith.constant 0 : index
    %swap3A_6 = arith.constant 0 : index
    %swap3A_7 = vector.load %arg4[%swap3A, %swap3A_6] : memref<2000x128xf32, #tpu.memory_space<vmem>>, vector<2000x128xf32>
    tpu.vector_store %arg4[%swap3A, %swap3A_6], %dot_general3A_5 {strides = array<i32>} : memref<2000x128xf32, #tpu.memory_space<vmem>>, vector<2000x128xf32>,
    %get3A_8 = arith.constant 0 : index
    %get3A_9 = arith.constant 0 : index
    %get3A_10 = vector.load %arg3[%get3A_8, %get3A_9] : memref<128x128xf32, #tpu.memory_space<vmem>>, vector<128x128xf32>
    %dot_general3A_11 = arith.constant dense<0.000000e+00> : vector<2000x128xf32>
    %dot_general3A_12 = tpu.matmul %get3A_1, %get3A_10, %dot_general3A_11 {dimension_numbers = #tpu.dot_dimension_numbers<[1], [0], [0], [1], [0, 0, 1, 1], [], []>, transpose_lhs_hint = false} : vector<2000x128xf32>, vector<128x128xf32>, vector<2000x128xf32> -> vector<2000x128xf32>
    %swap3A_13 = arith.constant 0 : index
    %swap3A_14 = arith.constant 0 : index
    %swap3A_15 = vector.load %arg5[%swap3A_13, %swap3A_14] : memref<2000x128xf32, #tpu.memory_space<vmem>>, vector<2000x128xf32>
    tpu.vector_store %arg5[%swap3A_13, %swap3A_14], %dot_general3A_12 {strides = array<i32>} : memref<2000x128xf32, #tpu.memory_space<vmem>>, vector<2000x128xf32>,
    return
  }
  func.func @transform_0(%arg0: i32) -> (i32, i32) {
    %c0_i32 = arith.constant 0 : i32
    %c0_i32_0 = arith.constant 0 : i32
    return %arg0, %c0_i32 : i32, i32
  }
  func.func @transform_1(%arg0: i32) -> (i32, i32) {
    %c0_i32 = arith.constant 0 : i32
    %c0_i32_0 = arith.constant 0 : i32
    %c0_i32_1 = arith.constant 0 : i32
    return %c0_i32, %c0_i32_0 : i32, i32
  }
  func.func @transform_2(%arg0: i32) -> (i32, i32) {
    %c0_i32 = arith.constant 0 : i32
    %c0_i32_0 = arith.constant 0 : i32
    %c0_i32_1 = arith.constant 0 : i32
    return %c0_i32, %c0_i32_0 : i32, i32
  }
  func.func @transform_3(%arg0: i32) -> (i32, i32) {
    %c0_i32 = arith.constant 0 : i32
    %c0_i32_0 = arith.constant 0 : i32
    return %arg0, %c0_i32 : i32, i32
  }
  func.func @transform_4(%arg0: i32) -> (i32, i32) {
    %c0_i32 = arith.constant 0 : i32
    %c0_i32_0 = arith.constant 0 : i32
    return %arg0, %c0_i32 : i32, i32
  }
}

module attributes {stable_mosaic.version = 14 : i64} {
  func.func @_attn_body(%arg0: i32, %arg1: memref<16x200x128xf32, #tpu.memory_space<vmem>>, %arg2: memref<16x200xi32, #tpu.memory_space<vmem>>, %arg3: memref<128x1xf32, #tpu.memory_space<vmem>>, %arg4: memref<128x1000xf32, #tpu.memory_space<vmem>>, %arg5: memref<16x128xf32, #tpu.memory_space<vmem>>, %arg6: memref<16x1000xf32, #tpu.memory_space<vmem>>) attributes {dimension_semantics = [#tpu.dimension_semantics<arbitrary>], iteration_bounds = array<i64: 64>, scalar_prefetch = 0 : i64, scratch_operands = 0 : i64, tpu.core_type = #tpu.core_type<tc>, window_params = [{transform_indices = @transform_0, window_bounds = array<i64: 16, 200, 128>}, {transform_indices = @transform_1, window_bounds = array<i64: 16, 200>}, {pipeline_mode = #tpu.pipeline_mode<synchronous>, transform_indices = @transform_2, window_bounds = array<i64: 128, 1>}, {pipeline_mode = #tpu.pipeline_mode<synchronous>, transform_indices = @transform_3, window_bounds = array<i64: 128, 1000>}, {transform_indices = @transform_4, window_bounds = array<i64: 16, 128>}, {transform_indices = @transform_5, window_bounds = array<i64: 16, 1000>}]} {
    %get3A = arith.constant 0 : index
    %get3A_0 = arith.constant 0 : index
    %get3A_1 = arith.constant 0 : index
    %get3A_2 = vector.load %arg1[%get3A, %get3A_0, %get3A_1] : memref<16x200x128xf32, #tpu.memory_space<vmem>>, vector<16x200x128xf32>
    %reshape3A = vector.shape_cast %get3A_2 : vector<16x200x128xf32> to vector<3200x128xf32>
    %tanh3A = math.tanh %reshape3A : vector<3200x128xf32>
    %get3A_3 = arith.constant 0 : index
    %get3A_4 = arith.constant 0 : index
    %get3A_5 = vector.load %arg3[%get3A_3, %get3A_4] : memref<128x1xf32, #tpu.memory_space<vmem>>, vector<128x1xf32>
    %dot_general3A = arith.constant dense<0.000000e+00> : vector<3200x1xf32>
    %dot_general3A_6 = tpu.matmul %tanh3A, %get3A_5, %dot_general3A {dimension_numbers = #tpu.dot_dimension_numbers<[1], [0], [0], [1], [0, 0, 1, 1], [], []>, transpose_lhs_hint = false} : vector<3200x128xf32>, vector<128x1xf32>, vector<3200x1xf32> -> vector<3200x1xf32>
    %reshape3A_7 = vector.shape_cast %dot_general3A_6 : vector<3200x1xf32> to vector<16x200xf32>
    %get3A_8 = arith.constant 0 : index
    %get3A_9 = arith.constant 0 : index
    %get3A_10 = vector.load %arg2[%get3A_8, %get3A_9] : memref<16x200xi32, #tpu.memory_space<vmem>>, vector<16x200xi32>
    %gt3A = arith.constant 1 : i32
    %gt3A_11 = vector.broadcast %gt3A : i32 to vector<16x200xi32>
    %gt3A_12 = arith.cmpi sgt, %get3A_10, %gt3A_11 : vector<16x200xi32>
    %convert_element_type3A = arith.extui %gt3A_12 : vector<16x200xi1> to vector<16x200xi32>
    %convert_element_type3A_13 = arith.sitofp %convert_element_type3A : vector<16x200xi32> to vector<16x200xf32>
    %mul3A = arith.mulf %reshape3A_7, %convert_element_type3A_13 : vector<16x200xf32>
    %sub3A = arith.constant 1.000000e+00 : f32
    %sub3A_14 = vector.broadcast %sub3A : f32 to vector<16x200xf32>
    %sub3A_15 = arith.subf %sub3A_14, %convert_element_type3A_13 : vector<16x200xf32>
    %mul3A_16 = arith.constant -2.000000e+10 : f32
    %mul3A_17 = vector.broadcast %mul3A_16 : f32 to vector<16x200xf32>
    %mul3A_18 = arith.mulf %sub3A_15, %mul3A_17 : vector<16x200xf32>
    %add3A = arith.addf %mul3A, %mul3A_18 : vector<16x200xf32>
    %reduce_max3A = arith.constant dense<0xFF800000> : vector<16xf32>
    %reduce_max3A_19 = vector.multi_reduction <maximumf>, %add3A, %reduce_max3A [1] : vector<16x200xf32> to vector<16xf32>
    %broadcast_in_dim3A = vector.shape_cast %reduce_max3A_19 : vector<16xf32> to vector<16x1xf32>
    %sub3A_20 = vector.broadcast %broadcast_in_dim3A : vector<16x1xf32> to vector<16x200xf32>
    %sub3A_21 = arith.subf %add3A, %sub3A_20 : vector<16x200xf32>
    %exp3A = math.exp %sub3A_21 : vector<16x200xf32>
    %reduce_sum3A = arith.constant dense<0.000000e+00> : vector<16xf32>
    %reduce_sum3A_22 = vector.multi_reduction <add>, %exp3A, %reduce_sum3A [1] : vector<16x200xf32> to vector<16xf32>
    %broadcast_in_dim3A_23 = vector.shape_cast %reduce_sum3A_22 : vector<16xf32> to vector<16x1xf32>
    %div3A = vector.broadcast %broadcast_in_dim3A_23 : vector<16x1xf32> to vector<16x200xf32>
    %div3A_24 = arith.divf %exp3A, %div3A : vector<16x200xf32>
    %iota3A = tpu.iota {dimensions = array<i32: 0>} : vector<16x3200xi32>
    %iota3A_25 = tpu.iota {dimensions = array<i32: 1>} : vector<16x3200xi32>
    %jit3A = arith.constant 200 : i32
    %div3A_26 = vector.broadcast %jit3A : i32 to vector<16x3200xi32>
    %div3A_27 = arith.divsi %iota3A_25, %div3A_26 : vector<16x3200xi32>
    %sign3A = arith.constant 0 : i32
    %sign3A_28 = vector.broadcast %sign3A : i32 to vector<16x3200xi32>
    %sign3A_29 = arith.cmpi sgt, %iota3A_25, %sign3A_28 : vector<16x3200xi32>
    %sign3A_30 = arith.extui %sign3A_29 : vector<16x3200xi1> to vector<16x3200xi32>
    %sign3A_31 = arith.constant 0 : i32
    %sign3A_32 = vector.broadcast %sign3A_31 : i32 to vector<16x3200xi32>
    %sign3A_33 = arith.cmpi slt, %iota3A_25, %sign3A_32 : vector<16x3200xi32>
    %sign3A_34 = arith.extui %sign3A_33 : vector<16x3200xi1> to vector<16x3200xi32>
    %sign3A_35 = arith.subi %sign3A_30, %sign3A_34 : vector<16x3200xi32>
    %sign3A_36 = arith.constant 0 : i32
    %sign3A_37 = arith.cmpi sgt, %jit3A, %sign3A_36 : i32
    %sign3A_38 = arith.extui %sign3A_37 : i1 to i32
    %sign3A_39 = arith.constant 0 : i32
    %sign3A_40 = arith.cmpi slt, %jit3A, %sign3A_39 : i32
    %sign3A_41 = arith.extui %sign3A_40 : i1 to i32
    %sign3A_42 = arith.subi %sign3A_38, %sign3A_41 : i32
    %ne3A = vector.broadcast %sign3A_42 : i32 to vector<16x3200xi32>
    %ne3A_43 = arith.cmpi ne, %sign3A_35, %ne3A : vector<16x3200xi32>
    %rem3A = vector.broadcast %jit3A : i32 to vector<16x3200xi32>
    %rem3A_44 = arith.remsi %iota3A_25, %rem3A : vector<16x3200xi32>
    %ne3A_45 = arith.constant 0 : i32
    %ne3A_46 = vector.broadcast %ne3A_45 : i32 to vector<16x3200xi32>
    %ne3A_47 = arith.cmpi ne, %rem3A_44, %ne3A_46 : vector<16x3200xi32>
    %and3A = arith.andi %ne3A_43, %ne3A_47 : vector<16x3200xi1>
    %sub3A_48 = arith.constant 1 : i32
    %sub3A_49 = vector.broadcast %sub3A_48 : i32 to vector<16x3200xi32>
    %sub3A_50 = arith.subi %div3A_27, %sub3A_49 : vector<16x3200xi32>
    %select_n3A = arith.select %and3A, %sub3A_50, %div3A_27 : vector<16x3200xi1>, vector<16x3200xi32>
    %eq3A = arith.cmpi eq, %iota3A, %select_n3A : vector<16x3200xi32>
    %reshape3A_51 = vector.shape_cast %div3A_24 : vector<16x200xf32> to vector<1x3200xf32>
    %broadcast_in_dim3A_52 = vector.shape_cast %reshape3A_51 : vector<1x3200xf32> to vector<1x3200xf32>
    %broadcast_in_dim3A_53 = vector.broadcast %broadcast_in_dim3A_52 : vector<1x3200xf32> to vector<16x3200xf32>
    %jit3A_54 = arith.constant 0.000000e+00 : f32
    %broadcast_in_dim3A_55 = vector.broadcast %jit3A_54 : f32 to vector<16x3200xf32>
    %select_n3A_56 = arith.select %eq3A, %broadcast_in_dim3A_53, %broadcast_in_dim3A_55 : vector<16x3200xi1>, vector<16x3200xf32>
    %dot_general3A_57 = arith.constant dense<0.000000e+00> : vector<16x128xf32>
    %dot_general3A_58 = tpu.matmul %select_n3A_56, %tanh3A, %dot_general3A_57 {dimension_numbers = #tpu.dot_dimension_numbers<[1], [0], [0], [1], [0, 0, 1, 1], [], []>, transpose_lhs_hint = false} : vector<16x3200xf32>, vector<3200x128xf32>, vector<16x128xf32> -> vector<16x128xf32>
    %swap3A = arith.constant 0 : index
    %swap3A_59 = arith.constant 0 : index
    %swap3A_60 = vector.load %arg5[%swap3A, %swap3A_59] : memref<16x128xf32, #tpu.memory_space<vmem>>, vector<16x128xf32>
    tpu.vector_store %arg5[%swap3A, %swap3A_59], %dot_general3A_58 {strides = array<i32>} : memref<16x128xf32, #tpu.memory_space<vmem>>, vector<16x128xf32>,
    %get3A_61 = arith.constant 0 : index
    %get3A_62 = arith.constant 0 : index
    %get3A_63 = vector.load %arg4[%get3A_61, %get3A_62] : memref<128x1000xf32, #tpu.memory_space<vmem>>, vector<128x1000xf32>
    %dot_general3A_64 = arith.constant dense<0.000000e+00> : vector<16x1000xf32>
    %dot_general3A_65 = tpu.matmul %dot_general3A_58, %get3A_63, %dot_general3A_64 {dimension_numbers = #tpu.dot_dimension_numbers<[1], [0], [0], [1], [0, 0, 1, 1], [], []>, transpose_lhs_hint = false} : vector<16x128xf32>, vector<128x1000xf32>, vector<16x1000xf32> -> vector<16x1000xf32>
    %swap3A_66 = arith.constant 0 : index
    %swap3A_67 = arith.constant 0 : index
    %swap3A_68 = vector.load %arg6[%swap3A_66, %swap3A_67] : memref<16x1000xf32, #tpu.memory_space<vmem>>, vector<16x1000xf32>
    tpu.vector_store %arg6[%swap3A_66, %swap3A_67], %dot_general3A_65 {strides = array<i32>} : memref<16x1000xf32, #tpu.memory_space<vmem>>, vector<16x1000xf32>,
    return
  }
  func.func @transform_0(%arg0: i32) -> (i32, i32, i32) {
    %c0_i32 = arith.constant 0 : i32
    %c0_i32_0 = arith.constant 0 : i32
    %c0_i32_1 = arith.constant 0 : i32
    return %arg0, %c0_i32, %c0_i32_0 : i32, i32, i32
  }
  func.func @transform_1(%arg0: i32) -> (i32, i32) {
    %c0_i32 = arith.constant 0 : i32
    %c0_i32_0 = arith.constant 0 : i32
    return %arg0, %c0_i32 : i32, i32
  }
  func.func @transform_2(%arg0: i32) -> (i32, i32) {
    %c0_i32 = arith.constant 0 : i32
    %c0_i32_0 = arith.constant 0 : i32
    %c0_i32_1 = arith.constant 0 : i32
    return %c0_i32, %c0_i32_0 : i32, i32
  }
  func.func @transform_3(%arg0: i32) -> (i32, i32) {
    %c0_i32 = arith.constant 0 : i32
    %c0_i32_0 = arith.constant 0 : i32
    %c0_i32_1 = arith.constant 0 : i32
    return %c0_i32, %c0_i32_0 : i32, i32
  }
  func.func @transform_4(%arg0: i32) -> (i32, i32) {
    %c0_i32 = arith.constant 0 : i32
    %c0_i32_0 = arith.constant 0 : i32
    return %arg0, %c0_i32 : i32, i32
  }
  func.func @transform_5(%arg0: i32) -> (i32, i32) {
    %c0_i32 = arith.constant 0 : i32
    %c0_i32_0 = arith.constant 0 : i32
    return %arg0, %c0_i32 : i32, i32
  }
}

</mosaic_0001>

<sc_bundles>
// kernel: kernel.6.cloned.1.call-start
scs
__scs_entry_jumppad:
0x0: {  	(pc) =	sbr.rel $0x88, $3  }
0x1: {  	(tag) =	ssettag $0x0;
	lr =	simm.s32 $0x1  }
0x2: {  	[smem:$0x3F99] =	sst lr;
	_ =	strace $0xD0000000  }
0x3: {  	_ = 	snop  }
0x4: {  	_ = 	snop  }
0x5: {  	_ = 	snop  }
0x6: {  	_ = 	snop  }
0x7: {  	_ = 	snop  }
__scs_overlays_trampoline_lowered:
0x8: {  	[smem:$0x3FA8] =	sst s0  }
0x9: {  	[smem:$0x3FA9] =	sst s1  }
0xa: {  	[smem:$0x3FAA] =	sst s2  }
0xb: {  	[smem:$0x3FAB] =	sst s3  }
0xc: {  	[smem:$0x3FAC] =	sst s4  }
0xd: {  	[smem:$0x3FAD] =	sst s5  }
0xe: {  	[smem:$0x3FAE] =	sst s6  }
0xf: {  	[smem:$0x3FAF] =	sst s7  }
0x10: {  	[smem:$0x3FB0] =	sst s8  }
0x11: {  	[smem:$0x3FB1] =	sst s9;
	s0 =	simm.s32 @!p0 $0x0  }
0x12: {  	s1 =	sld [smem:$0x3F97];
	s0 =	simm.s32 @p0 $0x1  }
0x13: {  	[smem:$0x3FB2] =	sst s0;
	s0 =	simm.s32 @!p1 $0x0  }
0x14: {  	s2 =	sld [smem:$0x3F96];
	s0 =	simm.s32 @p1 $0x1  }
0x15: {  	[smem:$0x3FB3] =	sst s0;
	s0 =	simm.s32 @!p2 $0x0  }
0x16: {  	s3 =	sld [smem:$0x3FDB];
	s0 =	simm.s32 @p2 $0x1  }
0x17: {  	s4 =	simm.s32 $0x1BF5;
	[smem:$0x3FB5] =	sst s0  }
0x18: {  	s0 =	sld [smem:$0x3F98];
	_ =	swait.ge [sflag:s4], $0x0  }
0x19: {  	s7 =	sld [smem:$0x3F99]  }
0x1a: {  	s8 =	sadd.s32 $0xFFFFE003, lr  }
0x1b: {  	s9 =	sadd.s32 $0xFFFFFEF7, lr;
	s5 =	simm.s32 $0xFFFFFFFF;
	p2 =	slt.u32 s8, $0xFFFFF086  }
0x1c: {  	p1 =	slt.u32 s9, $0xF7A;
	s5 =	simm.s32 @!p2 $0x0  }
0x1d: {  	s5 =	simm.s32 @p1 $0x1;
	p0 =	seq.s32 s7, s2  }
0x1e: {  	s7 =	smul.u32 @!p0 $0xF7A, s2;
	p2 =	seq.s32 @!p0 s5, $0x0  }
0x1f: {  	s9 =	smul.u32 $0xF7A, s1;
	s8 =	simm.s32 @!p0 $0x1BF5;
	p2 =	por !p2, p0  }
0x20: {  	[sflag:s8] =	ssyncset.s32 @!p0 $0xFFFFF086;
	s6 =	sadd.s32 @!p0 s3, s7;
	s7 =	simm.s32 @!p0 $0x108  }
0x21: {  	s3 =	sadd.s32 s3, s9;
	s6 =	sadd.s32 @!p0 $0x88, s6;
	s7 =	simm.s32 @p2 $0x1082  }
0x22: {  	[simem:s7], [sflag:s8] =	dma.local @!p0 [hbm:s6], $0xF7A  }
0x23: {  	s9 =	sor.u32 $0xD0000000, s2;
	s6 =	simm.s32 $0x108;
	_ =	swait.ge @!p0 [sflag:s8], $0x0  }
0x24: {  	s3 =	sadd.s32 $0x88, s3;
	s6 =	simm.s32 @!p1 $0x1082;
	[sflag:s4] =	ssyncset.s32 $0xFFFFF086  }
0x25: {  	[simem:s6], [sflag:s4] =	dma.local [hbm:s3], $0xF7A  }
0x26: {  	[smem:$0x3F99] =	sst s1;
	(tag) =	ssettag s2;
	_ =	strace s9  }
0x27: {  	s1 =	sld [smem:$0x3FA9]  }
0x28: {  	s2 =	sld [smem:$0x3FAA]  }
0x29: {  	s4 =	sld [smem:$0x3FAC]  }
0x2a: {  	p0 =	seq.s32 s5, $0x0;
	s5 =	sld [smem:$0x3FAD]  }
0x2b: {  	s6 =	sld [smem:$0x3FAE]  }
0x2c: {  	s7 =	sld [smem:$0x3FAF]  }
0x2d: {  	s3 =	simm.s32 $0x108;
	s8 =	sld [smem:$0x3FB0]  }
0x2e: {  	s3 =	simm.s32 @!p0 $0x1082;
	s9 =	sld [smem:$0x3FB1]  }
0x2f: {  	lr =	sadd.s32 s0, s3;
	s0 =	sld [smem:$0x3FA8]  }
0x30: {  	s3 =	sld [smem:$0x3FAB]  }
0x31: {  	[smem:$0x3FB4] =	sst s10  }
0x32: {  	s10 =	sld [smem:$0x3FB2];
	_ =	sdelay $0x3  }
0x33: {  	p0 =	seq.s32 s10, $0x1;
	s10 =	sld [smem:$0x3FB4];
	_ =	sdelay $0x3  }
0x34: {  	[smem:$0x3FB4] =	sst s10  }
0x35: {  	s10 =	sld [smem:$0x3FB3];
	_ =	sdelay $0x3  }
0x36: {  	p1 =	seq.s32 s10, $0x1;
	s10 =	sld [smem:$0x3FB4];
	_ =	sdelay $0x3  }
0x37: {  	[smem:$0x3FB4] =	sst s10  }
0x38: {  	s10 =	sld [smem:$0x3FB5]  }
0x39: {  	_ = 	snop;
	(pc) =	sbr.ind lr, $3  }
0x3a: {  	_ = 	snop  }
0x3b: {  	_ = 	snop  }
0x3c: {  	p2 =	seq.s32 s10, $0x1;
	s10 =	sld [smem:$0x3FB4]  }
0x3d: {  	_ =	shalt  }
0x3e: {  	_ =	shalt  }
0x3f: {  	_ =	shalt  }
0x40: {  	_ =	shalt  }
0x41: {  	_ =	shalt  }
0x42: {  	_ =	shalt  }
0x43: {  	_ =	shalt  }
0x44: {  	_ =	shalt  }
0x45: {  	_ =	shalt  }
0x46: {  	_ =	shalt  }
0x47: {  	_ =	shalt  }
0x48: {  	_ =	shalt  }
0x49: {  	_ =	shalt  }
0x4a: {  	_ =	shalt  }
0x4b: {  	_ =	shalt  }
0x4c: {  	_ =	shalt  }
0x4d: {  	_ =	shalt  }
0x4e: {  	_ =	shalt  }
0x4f: {  	_ =	shalt  }
0x50: {  	_ =	shalt  }
0x51: {  	_ =	shalt  }
0x52: {  	_ =	shalt  }
0x53: {  	_ =	shalt  }
0x54: {  	_ =	shalt  }
0x55: {  	_ =	shalt  }
0x56: {  	_ =	shalt  }
0x57: {  	_ =	shalt  }
0x58: {  	_ =	shalt  }
0x59: {  	_ =	shalt  }
0x5a: {  	_ =	shalt  }
0x5b: {  	_ =	shalt  }
0x5c: {  	_ =	shalt  }
0x5d: {  	_ =	shalt  }
0x5e: {  	_ =	shalt  }
0x5f: {  	_ =	shalt  }
0x60: {  	_ =	shalt  }
0x61: {  	_ =	shalt  }
0x62: {  	_ =	shalt  }
0x63: {  	_ =	shalt  }
0x64: {  	_ =	shalt  }
0x65: {  	_ =	shalt  }
0x66: {  	_ =	shalt  }
0x67: {  	_ =	shalt  }
0x68: {  	_ =	shalt  }
0x69: {  	_ =	shalt  }
0x6a: {  	_ =	shalt  }
0x6b: {  	_ =	shalt  }
0x6c: {  	_ =	shalt  }
0x6d: {  	_ =	shalt  }
0x6e: {  	_ =	shalt  }
0x6f: {  	_ =	shalt  }
0x70: {  	_ =	shalt  }
0x71: {  	_ =	shalt  }
0x72: {  	_ =	shalt  }
0x73: {  	_ =	shalt  }
0x74: {  	_ =	shalt  }
0x75: {  	_ =	shalt  }
0x76: {  	_ =	shalt  }
0x77: {  	_ =	shalt  }
0x78: {  	_ =	shalt  }
0x79: {  	_ =	shalt  }
0x7a: {  	_ =	shalt  }
0x7b: {  	_ =	shalt  }
0x7c: {  	_ =	shalt  }
0x7d: {  	_ =	shalt  }
0x7e: {  	_ =	shalt  }
0x7f: {  	_ =	shalt  }
0x80: {  	_ =	shalt  }
0x81: {  	_ =	shalt  }
0x82: {  	_ =	shalt  }
0x83: {  	_ =	shalt  }
0x84: {  	_ =	shalt  }
0x85: {  	_ =	shalt  }
0x86: {  	_ =	shalt  }
0x87: {  	_ =	shalt  }
.Lfunc_end0:
.L_simem_size_0:
called_computation_lowered:
.L_overlay_start_0:
0x88: {  	s2 =	sld [smem:$0x3FD9]  }
0x89: {  	s3 =	sld [smem:$0x3FFE];
	_ =	sdelay $0x1  }
0x8a: {  	s1 =	srdreg.scid  }
0x8b: {  	s0 =	sand.u32 $0x1, s1  }
0x8c: {  	s14 =	sshll.u32 s0, $0xA;
	s2 =	sadd.s32 s3, s2  }
0x8d: {  	s2 =	sadd.s32 s2, s14  }
0x8e: {  	[smem:$0x3FC0] =	sst s2  }
0x8f: {  	_ = 	snop  }
0x90: {  	s2 =	sld [smem:$0x3FD0];
	_ =	sdelay $0x2  }
0x91: {  	s15 =	simm.s32 $0xA;
	s4 =	simm.s32 $0x10  }
0x92: {  	[smem:s4], [sflag:s15] =	dma.local [hbm:s2], $0x1  }
0x93: {  	_ =	swait.eq [sflag:s15], $0x1  }
0x94: {  	[sflag:s15] =	ssyncset.done $0x0  }
0x95: {  	[sflag:s15] =	ssyncadd.s32 $0xFFFFFFFF  }
0x96: {  	s16 =	sld [smem:$0x11];
	(tm) =	ssettm $0x1  }
0x97: {  	s17 =	sld [smem:$0x3FFB];
	_ =	sdelay $0x3  }
0x98: {  	_ =	strace s17  }
0x99: {  	s3 =	sld [smem:$0x3FFC];
	_ =	sdelay $0x3  }
0x9a: {  	_ =	strace s3  }
0x9b: {  	s3 =	sld [smem:$0x3FFD];
	_ =	sdelay $0x3  }
0x9c: {  	_ =	strace s3  }
0x9d: {  	_ =	strace $0x8FFFFFFF  }
0x9e: {  	s18 =	sld [smem:$0x3FDB];
	_ =	sdelay $0x1  }
0x9f: {  	s19 =	simm.s32 $_scs_section_size  }
0xa0: {  	s5 =	simm.s32 $_size__tile_overlayer_lowered;
	s6 =	simm.s32 $_tile_overlayer_lowered  }
0xa1: {  	s22 =	simm.s32 $0x1BFF;
	s21 =	sshll.u32 s6, $0x1;
	s3 =	sadd.s32 s19, s18  }
0xa2: {  	s7 =	simm.s32 $0x0;
	s20 =	sshll.u32 s5, $0x1;
	s5 =	sadd.s32 s21, s3  }
0xa3: {  	[timem:s7], [sflag:s22] =	dma.local [hbm:s5], s20  }
0xa4: {  	_ =	swait.ge [sflag:s22], s20  }
0xa5: {  	s4 =	ssub.s32 $0x0, s20;
	[sflag:s22] =	ssyncset.done $0x0  }
0xa6: {  	[sflag:s22] =	ssyncadd.s32 s4;
	_ =	sdelay $0x1  }
0xa7: {  	s23 =	simm.s32 $0x1B8B  }
0xa8: {  	_ =	swait.ge [sflag:s23], $0x1  }
0xa9: {  	[sflag:s23] =	ssyncset.done $0x0  }
0xaa: {  	s25 =	simm.s32 $0x1B8E;
	s24 =	sld [smem:$0x3FFE];
	[sflag:s23] =	ssyncadd.s32 $0xFFFFFFFF  }
0xab: {  	s26 =	simm.s32 $execute0_lowered;
	[smem:$0x3FD2] =	sst s25  }
0xac: {  	s5 =	sshll.u32 s26, $0x1;
	_ =	strace $0x80000046;
	[dreg:$0x1] =	wrdreg $0xFFFFFFFF  }
0xad: {  	s28 =	simm.s32 $_size_execute0_lowered;
	s3 =	sadd.s32 s3, s5;
	[dreg:$0x0] =	wrdreg $0x0  }
0xae: {  	s5 =	sshll.u32 s28, $0x1;
	[dreg:$0x2] =	wrdreg s3  }
0xaf: {  	[dreg:$0x3] =	wrdreg s5  }
0xb0: {  	[dreg:$0x4] =	wrdreg $0xC0  }
0xb1: {  	_ =	task [dreg:s7], $0x5FFFF  }
0xb2: {  	[dreg:$0x1] =	wrdreg $0xFFFFFFFF  }
0xb3: {  	[dreg:$0x0] =	wrdreg $0x60  }
0xb4: {  	[dreg:$0x2] =	wrdreg s16  }
0xb5: {  	[dreg:$0x3] =	wrdreg s24  }
0xb6: {  	[dreg:$0x4] =	wrdreg $0x9  }
0xb7: {  	_ =	task.clear_ibuf [dreg:s7], $0x5FFFF;
	_ =	strace $0x90000046  }
0xb8: {  	s29 =	simm.s32 $0x9;
	_ =	strace $0x80000048  }
0xb9: {  	_ =	swait.ge [sflag:s29], $0x1  }
0xba: {  	[sflag:s29] =	ssyncadd.s32 $0xFFFFFFFF  }
0xbb: {  	_ =	strace $0x90000048  }
0xbc: {  	_ =	sfence  }
0xbd: {  	s30 =	sld [smem:$0x0];
	_ =	sdelay $0x2  }
0xbe: {  	s31 =	sshll.u32 s1, $0xD;
	s1 =	sshrl.u32 s1, $0x2  }
0xbf: {  	s3 =	sand.u32 $0x4000, s31;
	s1 =	sadd.s32 s1, s30  }
0xc0: {  	s0 =	sor.u32 s3, s0;
	s1 =	sshll.u32 s1, $0x11  }
0xc1: {  	s0 =	sor.u32 s1, s0  }
0xc2: {  	s0 =	sadd.s32 $0x8F2B, s0  }
0xc3: {  	[sflag:s0] =	ssyncadd.remote.s32 $0x1  }
0xc4: {  	_ =	sfence.sel $0xFFFF  }
0xc5: {  	[dreg:$0x0] =	wrdreg $0xFFFFFFFF;
	(pc) =	sbr.abs _section_cstart, $3  }
0xc6: {  	[dreg:$0x1] =	wrdreg $0xFFFFFFFF  }
0xc7: {  	_ =	task.clear_ibuf [dreg:s7], $0x2FFFF;
	_ =	strace $0x9FFFFFFF  }
0xc8: {  	(tm) =	ssettm $0x7FFFFFFF  }
0xc9: {  	_ =	shalt  }
tec
execute0_lowered:
.L_overlay_start_1:
0x0: {  	(tag) =	ssettag $0x1  }
0x1: {  	s1 =	rddreg [dreg:$0x0]  }
0x2: {  	s0 =	rddreg [dreg:$0x1];
	s3 =	simm.s32 $0x0  }
0x3: {  	s2 =	srdreg.scid;
	s4 =	stileid.u32;
	s12 =	simm.s32 $0x7  }
0x4: {  	s13 =	simm.s32 $0x80;
	s14 =	simm.s32 $0x400;
	s18 =	simm.s32 $0x200  }
0x5: {  	s19 =	simm.s32 $0xC400;
	s20 =	simm.s32 $0x280;
	s21 =	simm.s32 $0x10400  }
0x6: {  	s22 =	simm.s32 $0x300;
	s23 =	simm.s32 $0x14400;
	s24 =	simm.s32 $0x1  }
0x7: {  	s28 =	simm.s32 $0x4;
	s29 =	simm.s32 $0x5;
	s30 =	simm.s32 $0x6  }
0x8: {  	s31 =	simm.s32 $0x0;
	s2 =	sand.u32 $0x1, s2;
	s5 =	sshll.u32 s4, $0x1  }
0x9: {  	[smem:$0x7FF] =	sst s3;
	s4 =	sadd.s32 $0xCCC00, s0;
	s7 =	sor.u32 s2, s5  }
0xa: {  	s6 =	sadd.s32 $0x253600, s0;
	s2 =	ssub.s32 $0x2, s2;
	s9 =	smul.u32 $0xC80, s7  }
0xb: {  	s8 =	sadd.s32 $0x3DA000, s0;
	s10 =	sshrl.u32 s2, $0x1;
	s7 =	smul.u32 $0x32, s7  }
0xc: {  	_ =	strace $0x80000047;
	s5 =	sadd.s32 $0x9600, s0;
	s25 =	ssub.s32 s2, s10  }
0xd: {  	s26 =	sadd.s32 s1, s9;
	s10 =	sadd.s32 $0x2, s7;
	s11 =	smax.u32 s25, $0x1  }
0xe: {  	s25 =	simm.s32 $0x2;
	[dreg:$0x3] =	wrdreg s26;
	s26 =	simm.s32 $0x3  }
.LBB2_1:
0xf: {  	s0 =	rddreg [dreg:$0x3]  }
0x10: {  	[tilespmem:s3], [sflag:$0x7] =	stream.linear.gather [hbm4b:s0+s3], $0x180, $0x38;
	[tilespmem:$0x18400] =	vst v63  }
0x11: {  	_ =	swait.ge [sflag:s12], $0x180  }
0x12: {  	[sflag:s12] =	ssyncset.done $0x0  }
0x13: {  	[sflag:s12] =	ssyncadd.s32 $0xFFFFFE80  }
0x14: {  	[tilespmem:s14], [sflag:$0x1] =	stream.indirect.gather [hbm4b:s4+s13], $0x80, s3, s13, $0xb8;
	[tilespmem:$0x18400] =	vst v63  }
0x15: {  	s16 =	simm.s32 $0x4400  }
0x16: {  	[tilespmem:s16], [sflag:$0x2] =	stream.indirect.gather [hbm4b:s5+s13], $0x80, s13, s13, $0xb8;
	[tilespmem:$0x18400] =	vst v63  }
0x17: {  	s17 =	simm.s32 $0x100;
	s2 =	simm.s32 $0x8400;
	s0 =	simm.s32 $0x0  }
0x18: {  	[tilespmem:s2], [sflag:$0x3] =	stream.indirect.gather [hbm4b:s6+s13], $0x80, s17, s13, $0xb8;
	[tilespmem:$0x18400] =	vst v63  }
.LBB2_2:
0x19: {  	s15 =	sshll.u32 s0, $0x1  }
0x1a: {  	s2 =	sadd.s32 s15, s7  }
0x1b: {  	s2 =	sadd.s32 $0x1, s2  }
0x1c: {  	s16 =	sshll.u32 s2, $0x6  }
0x1d: {  	s16 =	sand.u32 $0x1FFFFFC0, s16  }
0x1e: {  	s17 =	simm.s32 $0x0;
	s16 =	sadd.s32 s1, s16  }
0x1f: {  	[tilespmem:s18], [sflag:$0x7] =	stream.linear.gather [hbm4b:s16+s17], $0x180, $0x38;
	[tilespmem:$0x18400] =	vst v63  }
0x20: {  	_ =	swait.ge [sflag:s12], $0x180  }
0x21: {  	[sflag:s12] =	ssyncset.done $0x0  }
0x22: {  	[sflag:s12] =	ssyncadd.s32 $0xFFFFFE80  }
0x23: {  	[tilespmem:s19], [sflag:$0x4] =	stream.indirect.gather [hbm4b:s4+s13], $0x80, s18, s13, $0xb8;
	[tilespmem:$0x18400] =	vst v63  }
0x24: {  	_ = 	snop  }
0x25: {  	[tilespmem:s21], [sflag:$0x5] =	stream.indirect.gather [hbm4b:s5+s13], $0x80, s20, s13, $0xb8;
	[tilespmem:$0x18400] =	vst v63  }
0x26: {  	_ = 	snop  }
0x27: {  	[tilespmem:s23], [sflag:$0x6] =	stream.indirect.gather [hbm4b:s6+s13], $0x80, s22, s13, $0xb8;
	[tilespmem:$0x18400] =	vst v63  }
0x28: {  	_ =	swait.ge [sflag:s24], $0x4000  }
0x29: {  	[sflag:s24] =	ssyncset.done $0x0  }
0x2a: {  	[sflag:s24] =	ssyncadd.s32 $0xFFFFC000  }
0x2b: {  	_ =	swait.ge [sflag:s25], $0x4000  }
0x2c: {  	[sflag:s25] =	ssyncset.done $0x0  }
0x2d: {  	[sflag:s25] =	ssyncadd.s32 $0xFFFFC000  }
0x2e: {  	_ =	swait.ge [sflag:s26], $0x4000  }
0x2f: {  	[sflag:s26] =	ssyncset.done $0x0  }
0x30: {  	s16 =	simm.s32 $0x0;
	[sflag:s26] =	ssyncadd.s32 $0xFFFFC000  }
0x31: {  	v5 =	vld [tilespmem:s16+$0x8400]  }
0x32: {  	v4 =	vld [tilespmem:s16+$0x8410]  }
0x33: {  	v3 =	vld [tilespmem:s16+$0x8420]  }
0x34: {  	v2 =	vld [tilespmem:s16+$0x8430]  }
0x35: {  	v1 =	vld [tilespmem:s16+$0x8440]  }
0x36: {  	v0 =	vld [tilespmem:s16+$0x8450]  }
0x37: {  	v12 =	vld [tilespmem:s16+$0x4400]  }
0x38: {  	v17 =	vld [tilespmem:s16+$0x4410]  }
0x39: {  	v11 =	vld [tilespmem:s16+$0x4420]  }
0x3a: {  	v10 =	vld [tilespmem:s16+$0x4430]  }
0x3b: {  	v9 =	vld [tilespmem:s16+$0x4440]  }
0x3c: {  	v8 =	vld [tilespmem:s16+$0x4450]  }
0x3d: {  	v7 =	vld [tilespmem:s16+$0x4460]  }
0x3e: {  	v6 =	vld [tilespmem:s16+$0x4470]  }
0x3f: {  	v18 =	vld [tilespmem:s16+$0x400]  }
0x40: {  	v19 =	vld [tilespmem:s16+$0x410]  }
0x41: {  	v16 =	vld [tilespmem:s16+$0x420]  }
0x42: {  	v15 =	vld [tilespmem:s16+$0x430]  }
0x43: {  	v14 =	vld [tilespmem:s16+$0x440]  }
0x44: {  	v13 =	vld [tilespmem:s16+$0x450];
	v18 =	vadd.f32 v12, v18  }
0x45: {  	s17 =	simm.s32 $0x200;
	v17 =	vadd.f32 v17, v19;
	v12 =	vld [tilespmem:s16+$0x460]  }
.LBB2_3:
0x46: {  	p0 =	sne.s32 s17, $0xFE00;
	v5 =	vadd.f32 v5, v18;
	v11 =	vadd.f32 v11, v16;
	v16 =	vld [tilespmem:s16+$0x470]  }
0x47: {  	v4 =	vadd.f32 v4, v17;
	v10 =	vadd.f32 v10, v15;
	v15 =	vld [tilespmem:s16+$0x8460]  }
0x48: {  	s9 =	sshra.s32 s17, $0x2;
	[tilespmem:s16+$0x400] =	vst v5;
	v3 =	vadd.f32 v3, v11;
	v9 =	vadd.f32 v9, v14;
	v11 =	vld [tilespmem:s16+$0x8470]  }
0x49: {  	v5 =	vld [tilespmem:s9+$0x8400];
	[tilespmem:s16+$0x410] =	vst v4;
	v2 =	vadd.f32 v2, v10;
	v8 =	vadd.f32 v8, v13  }
0x4a: {  	v4 =	vld [tilespmem:s9+$0x8410];
	[tilespmem:s16+$0x420] =	vst v3;
	v1 =	vadd.f32 v1, v9;
	v7 =	vadd.f32 v7, v12  }
0x4b: {  	v3 =	vld [tilespmem:s9+$0x8420];
	[tilespmem:s16+$0x430] =	vst v2;
	v0 =	vadd.f32 v0, v8;
	v6 =	vadd.f32 v6, v16  }
0x4c: {  	v2 =	vld [tilespmem:s9+$0x8430];
	[tilespmem:s16+$0x440] =	vst v1;
	v7 =	vadd.f32 v15, v7  }
0x4d: {  	v1 =	vld [tilespmem:s9+$0x8440];
	[tilespmem:s16+$0x450] =	vst v0;
	v6 =	vadd.f32 v11, v6  }
0x4e: {  	v0 =	vld [tilespmem:s9+$0x8450];
	[tilespmem:s16+$0x460] =	vst v7  }
0x4f: {  	v12 =	vld [tilespmem:s9+$0x4400];
	[tilespmem:s16+$0x470] =	vst v6;
	s16 =	smov.u32 s9  }
0x50: {  	v17 =	vld [tilespmem:s16+$0x4410]  }
0x51: {  	v11 =	vld [tilespmem:s16+$0x4420]  }
0x52: {  	v10 =	vld [tilespmem:s16+$0x4430]  }
0x53: {  	v9 =	vld [tilespmem:s16+$0x4440]  }
0x54: {  	v8 =	vld [tilespmem:s16+$0x4450]  }
0x55: {  	v7 =	vld [tilespmem:s16+$0x4460]  }
0x56: {  	v6 =	vld [tilespmem:s16+$0x4470]  }
0x57: {  	v13 =	vld [tilespmem:s16+$0x400]  }
0x58: {  	v19 =	vld [tilespmem:s16+$0x410]  }
.Ltmp0:
0x59: {  	v16 =	vld [tilespmem:s16+$0x420];
	(pc) =	sbr.rel @p0 .LBB2_3-.Ltmp0, $4  }
0x5a: {  	v15 =	vld [tilespmem:s16+$0x430]  }
0x5b: {  	v14 =	vld [tilespmem:s16+$0x440]  }
0x5c: {  	v18 =	vadd.f32 v12, v13;
	v13 =	vld [tilespmem:s16+$0x450]  }
0x5d: {  	s17 =	sadd.s32 $0x200, s17;
	v17 =	vadd.f32 v17, v19;
	v12 =	vld [tilespmem:s16+$0x460]  }
0x5e: {  	v5 =	vadd.f32 v5, v18;
	v18 =	vld [tilespmem:s16+$0x470];
	v11 =	vadd.f32 v11, v16  }
0x5f: {  	v16 =	vld [tilespmem:s16+$0x8460];
	v4 =	vadd.f32 v4, v17;
	v10 =	vadd.f32 v10, v15  }
0x60: {  	[tilespmem:s16+$0x400] =	vst v5;
	v3 =	vadd.f32 v3, v11;
	v5 =	vadd.f32 v9, v14;
	v9 =	vld [tilespmem:s16+$0x8470]  }
0x61: {  	[tilespmem:s16+$0x410] =	vst v4;
	v2 =	vadd.f32 v2, v10;
	v4 =	vadd.f32 v8, v13  }
0x62: {  	[tilespmem:s16+$0x420] =	vst v3;
	v1 =	vadd.f32 v1, v5;
	v3 =	vadd.f32 v7, v12  }
0x63: {  	[tilespmem:s16+$0x430] =	vst v2;
	v0 =	vadd.f32 v0, v4;
	v2 =	vadd.f32 v6, v18  }
0x64: {  	[tilespmem:s16+$0x440] =	vst v1;
	v1 =	vadd.f32 v16, v3  }
0x65: {  	s9 =	sadd.s32 s7, s15;
	[tilespmem:s16+$0x450] =	vst v0;
	v0 =	vadd.f32 v9, v2  }
0x66: {  	s9 =	sshll.u32 s9, $0xB;
	[tilespmem:s16+$0x460] =	vst v1  }
0x67: {  	p0 =	seq.s32 s0, $0x18;
	s9 =	sadd.s32 s8, s9;
	[tilespmem:s16+$0x470] =	vst v0  }
0x68: {  	[hbm4b:s9+s3] =	stream.linear.scatter [tilespmem:s14], [sflag:$0x7], $0x4000, $0x38;
	[tilespmem:$0x18400] =	vst v63  }
0x69: {  	s9 =	sadd.s32 @!p0 s15, s10  }
0x6a: {  	_ =	swait.ge [sflag:s12], $0x4000;
	s9 =	sshll.u32 @!p0 s9, $0x6  }
0x6b: {  	[sflag:s12] =	ssyncset.done $0x0;
	s9 =	sand.u32 @!p0 $0x1FFFFF80, s9  }
0x6c: {  	s15 =	simm.s32 @!p0 $0x0;
	[sflag:s12] =	ssyncadd.s32 $0xFFFFC000;
	s9 =	sadd.s32 @!p0 s1, s9  }
0x6d: {  	[tilespmem:s15], [sflag:$0x7] =	stream.linear.gather @!p0 [hbm4b:s9+s15], $0x180, $0x38;
	[tilespmem:$0x18400] =	vst v63  }
0x6e: {  	s9 =	simm.s32 @!p0 $0x7  }
0x6f: {  	_ =	swait.ge @!p0 [sflag:s9], $0x180  }
0x70: {  	[sflag:s9] =	ssyncset.done @!p0 $0x0  }
0x71: {  	s16 =	simm.s32 @!p0 $0x400;
	[sflag:s9] =	ssyncadd.s32 @!p0 $0xFFFFFE80;
	s9 =	simm.s32 @!p0 $0x80  }
0x72: {  	[tilespmem:s16], [sflag:$0x1] =	stream.indirect.gather @!p0 [hbm4b:s4+s9], $0x80, s15, s9, $0xb8;
	[tilespmem:$0x18400] =	vst v63  }
0x73: {  	s15 =	simm.s32 @!p0 $0x4400  }
0x74: {  	[tilespmem:s15], [sflag:$0x2] =	stream.indirect.gather @!p0 [hbm4b:s5+s9], $0x80, s9, s9, $0xb8;
	[tilespmem:$0x18400] =	vst v63  }
0x75: {  	s16 =	simm.s32 @!p0 $0x8400;
	s15 =	simm.s32 @!p0 $0x100  }
0x76: {  	[tilespmem:s16], [sflag:$0x3] =	stream.indirect.gather @!p0 [hbm4b:s6+s9], $0x80, s15, s9, $0xb8;
	[tilespmem:$0x18400] =	vst v63  }
0x77: {  	_ =	swait.ge [sflag:s28], $0x4000  }
0x78: {  	[sflag:s28] =	ssyncset.done $0x0  }
0x79: {  	[sflag:s28] =	ssyncadd.s32 $0xFFFFC000  }
0x7a: {  	_ =	swait.ge [sflag:s29], $0x4000  }
0x7b: {  	[sflag:s29] =	ssyncset.done $0x0  }
0x7c: {  	[sflag:s29] =	ssyncadd.s32 $0xFFFFC000  }
0x7d: {  	_ =	swait.ge [sflag:s30], $0x4000  }
0x7e: {  	[sflag:s30] =	ssyncset.done $0x0  }
0x7f: {  	s15 =	simm.s32 $0x0;
	[sflag:s30] =	ssyncadd.s32 $0xFFFFC000  }
0x80: {  	v5 =	vld [tilespmem:s15+$0x14400]  }
0x81: {  	v4 =	vld [tilespmem:s15+$0x14410]  }
0x82: {  	v3 =	vld [tilespmem:s15+$0x14420]  }
0x83: {  	v2 =	vld [tilespmem:s15+$0x14430]  }
0x84: {  	v1 =	vld [tilespmem:s15+$0x14440]  }
0x85: {  	v0 =	vld [tilespmem:s15+$0x14450]  }
0x86: {  	v12 =	vld [tilespmem:s15+$0x10400]  }
0x87: {  	v17 =	vld [tilespmem:s15+$0x10410]  }
0x88: {  	v11 =	vld [tilespmem:s15+$0x10420]  }
0x89: {  	v10 =	vld [tilespmem:s15+$0x10430]  }
0x8a: {  	v9 =	vld [tilespmem:s15+$0x10440]  }
0x8b: {  	v8 =	vld [tilespmem:s15+$0x10450]  }
0x8c: {  	v7 =	vld [tilespmem:s15+$0x10460]  }
0x8d: {  	v6 =	vld [tilespmem:s15+$0x10470]  }
0x8e: {  	v18 =	vld [tilespmem:s15+$0xC400]  }
0x8f: {  	v19 =	vld [tilespmem:s15+$0xC410]  }
0x90: {  	v16 =	vld [tilespmem:s15+$0xC420]  }
0x91: {  	v15 =	vld [tilespmem:s15+$0xC430]  }
0x92: {  	v14 =	vld [tilespmem:s15+$0xC440]  }
0x93: {  	v13 =	vld [tilespmem:s15+$0xC450];
	v18 =	vadd.f32 v12, v18  }
0x94: {  	s16 =	simm.s32 $0x200;
	v17 =	vadd.f32 v17, v19;
	v12 =	vld [tilespmem:s15+$0xC460]  }
.LBB2_5:
0x95: {  	p0 =	sne.s32 s16, $0xFE00;
	v5 =	vadd.f32 v5, v18;
	v11 =	vadd.f32 v11, v16;
	v16 =	vld [tilespmem:s15+$0xC470]  }
0x96: {  	v4 =	vadd.f32 v4, v17;
	v10 =	vadd.f32 v10, v15;
	v15 =	vld [tilespmem:s15+$0x14460]  }
0x97: {  	s9 =	sshra.s32 s16, $0x2;
	[tilespmem:s15+$0xC400] =	vst v5;
	v3 =	vadd.f32 v3, v11;
	v9 =	vadd.f32 v9, v14;
	v11 =	vld [tilespmem:s15+$0x14470]  }
0x98: {  	v5 =	vld [tilespmem:s9+$0x14400];
	[tilespmem:s15+$0xC410] =	vst v4;
	v2 =	vadd.f32 v2, v10;
	v8 =	vadd.f32 v8, v13  }
0x99: {  	v4 =	vld [tilespmem:s9+$0x14410];
	[tilespmem:s15+$0xC420] =	vst v3;
	v1 =	vadd.f32 v1, v9;
	v7 =	vadd.f32 v7, v12  }
0x9a: {  	v3 =	vld [tilespmem:s9+$0x14420];
	[tilespmem:s15+$0xC430] =	vst v2;
	v0 =	vadd.f32 v0, v8;
	v6 =	vadd.f32 v6, v16  }
0x9b: {  	v2 =	vld [tilespmem:s9+$0x14430];
	[tilespmem:s15+$0xC440] =	vst v1;
	v7 =	vadd.f32 v15, v7  }
0x9c: {  	v1 =	vld [tilespmem:s9+$0x14440];
	[tilespmem:s15+$0xC450] =	vst v0;
	v6 =	vadd.f32 v11, v6  }
0x9d: {  	v0 =	vld [tilespmem:s9+$0x14450];
	[tilespmem:s15+$0xC460] =	vst v7  }
0x9e: {  	v12 =	vld [tilespmem:s9+$0x10400];
	[tilespmem:s15+$0xC470] =	vst v6;
	s15 =	smov.u32 s9  }
0x9f: {  	v17 =	vld [tilespmem:s15+$0x10410]  }
0xa0: {  	v11 =	vld [tilespmem:s15+$0x10420]  }
0xa1: {  	v10 =	vld [tilespmem:s15+$0x10430]  }
0xa2: {  	v9 =	vld [tilespmem:s15+$0x10440]  }
0xa3: {  	v8 =	vld [tilespmem:s15+$0x10450]  }
0xa4: {  	v7 =	vld [tilespmem:s15+$0x10460]  }
0xa5: {  	v6 =	vld [tilespmem:s15+$0x10470]  }
0xa6: {  	v13 =	vld [tilespmem:s15+$0xC400]  }
0xa7: {  	v19 =	vld [tilespmem:s15+$0xC410]  }
.Ltmp1:
0xa8: {  	v16 =	vld [tilespmem:s15+$0xC420];
	(pc) =	sbr.rel @p0 .LBB2_5-.Ltmp1, $4  }
0xa9: {  	v15 =	vld [tilespmem:s15+$0xC430]  }
0xaa: {  	v14 =	vld [tilespmem:s15+$0xC440]  }
0xab: {  	v18 =	vadd.f32 v12, v13;
	v13 =	vld [tilespmem:s15+$0xC450]  }
0xac: {  	s16 =	sadd.s32 $0x200, s16;
	v17 =	vadd.f32 v17, v19;
	v12 =	vld [tilespmem:s15+$0xC460]  }
0xad: {  	v5 =	vadd.f32 v5, v18;
	v55 =	vld [tilespmem:s15+$0xC470];
	v11 =	vadd.f32 v11, v16  }
0xae: {  	v56 =	vld [tilespmem:s15+$0x14460];
	v4 =	vadd.f32 v4, v17;
	v10 =	vadd.f32 v10, v15  }
0xaf: {  	v58 =	vld [tilespmem:s15+$0x14470];
	[tilespmem:s15+$0xC400] =	vst v5;
	v3 =	vadd.f32 v3, v11;
	v57 =	vadd.f32 v9, v14  }
0xb0: {  	[tilespmem:s15+$0xC410] =	vst v4;
	v2 =	vadd.f32 v2, v10;
	v59 =	vadd.f32 v8, v13  }
0xb1: {  	[tilespmem:s15+$0xC420] =	vst v3;
	v1 =	vadd.f32 v1, v57;
	v60 =	vadd.f32 v7, v12  }
0xb2: {  	[tilespmem:s15+$0xC430] =	vst v2;
	v0 =	vadd.f32 v0, v59;
	v61 =	vadd.f32 v6, v55  }
0xb3: {  	[tilespmem:s15+$0xC440] =	vst v1;
	v62 =	vadd.f32 v56, v60  }
0xb4: {  	s2 =	sshll.u32 s2, $0xB;
	s0 =	sadd.s32 $0x1, s0;
	[tilespmem:s15+$0xC450] =	vst v0;
	v63 =	vadd.f32 v58, v61  }
0xb5: {  	s2 =	sand.u32 $0x1FFFF800, s2;
	p0 =	sne.s32 s0, $0x19;
	[tilespmem:s15+$0xC460] =	vst v62  }
.Ltmp2:
0xb6: {  	s2 =	sadd.s32 s8, s2;
	[tilespmem:s15+$0xC470] =	vst v63;
	(pc) =	sbr.rel @p0 .LBB2_2-.Ltmp2, $4  }
0xb7: {  	[hbm4b:s2+s3] =	stream.linear.scatter [tilespmem:s19], [sflag:$0x7], $0x4000, $0x38;
	[tilespmem:$0x18400] =	vst v63  }
0xb8: {  	_ =	swait.ge [sflag:s12], $0x4000  }
0xb9: {  	[sflag:s12] =	ssyncset.done $0x0  }
0xba: {  	[sflag:s12] =	ssyncadd.s32 $0xFFFFC000  }
0xbb: {  	s31 =	sadd.s32 $0x1, s31  }
0xbc: {  	p0 =	sne.s32 s31, s11  }
.Ltmp3:
0xbd: {  	_ = 	snop;
	(pc) =	sbr.rel @p0 .LBB2_1-.Ltmp3, $1  }
0xbe: {  	_ =	sdelay $0x3  }
0xbf: {  	_ =	sfence.sel $0x180000  }
0xc0: {  	[bflag:$0x0] =	sbarrier.arrive $0xFFFF  }
0xc1: {  	_ =	strace $0x90000047  }
0xc2: {  	s0 =	stileid.u32;
	[bflag:$0x2] =	sbarrier.arrive $0xFFFF  }
0xc3: {  	p0 =	sne.s32 s0, $0x0;
	s0 =	rddreg [dreg:$0x2]  }
0xc4: {  	s0 =	sadd.s32 @!p0 $0x100000, s0  }
0xc5: {  	[sflag:s0] =	ssyncadd.tile.s32 @!p0 $0x1;
	_ =	shalt  }
.Lfunc_end2:
_tile_overlayer_lowered:
.L_overlay_start_2:
0xc6: {  	(tag) =	ssettag $0x2  }
0xc7: {  	s0 =	rddreg [dreg:$0x0];
	s2 =	stileid.u32  }
0xc8: {  	s1 =	rddreg [dreg:$0x1];
	p0 =	sne.s32 s2, $0x0  }
0xc9: {  	s3 =	rddreg [dreg:$0x2];
	[bflag:$0x3] =	sbarrier.arrive $0xFFFF;
	s2 =	simm.s32 @!p0 $0x1C07  }
0xca: {  	[timem:s3], [sflag:s2] =	dma.local @!p0 [hbm:s0], s1  }
0xcb: {  	s0 =	simm.s32 @!p0 $0x7  }
0xcc: {  	_ =	swait.ge @!p0 [sflag:s0], s1  }
0xcd: {  	s1 =	ssub.s32 @!p0 $0x0, s1;
	[sflag:s0] =	ssyncset.done @!p0 $0x0  }
0xce: {  	[sflag:s0] =	ssyncadd.s32 @!p0 s1  }
0xcf: {  	[bflag:$0x3] =	sbarrier.arrive $0xFFFF  }
0xd0: {  	_ =	shalt  }

</sc_bundles>
